<compile_context>
chip_gen: v7x
topology: tpu7x:2x2x1
jax: 0.10.2.dev20260603
libtpu: 0.0.44.dev20260713+nightly
codegen_flags: <defaults>
</compile_context>

<pallas_src>
import dataclasses
import functools

import jax
import jax.numpy as jnp
from jax import lax
from jax.experimental import pallas as pl
from jax.experimental.pallas import tpu as pltpu
from jax.experimental.pallas import tpu_sc as plsc

_NUM_EXPERTS = 8
_TOPK = 2
_BLOCK = 4096
_NUM_CORES = 2
_NUM_SUBCORES = 16
_NW = _NUM_CORES * _NUM_SUBCORES
_LANES = 16


def _probs_block(x_ref, w_ref, b_ref, p_out):
    logits = jax.lax.dot_general(
        x_ref[...], w_ref[...], (((1,), (1,)), ((), ())),
        preferred_element_type=jnp.float32,
    ) + b_ref[...]
    p_out[...] = jax.nn.sigmoid(logits).T


def _tc_probs(hidden_states, w, b2):
    n_tokens, hidden = hidden_states.shape
    n_exp = w.shape[0]
    return pl.pallas_call(
        _probs_block,
        grid=(n_tokens // _BLOCK,),
        in_specs=[
            pl.BlockSpec((_BLOCK, hidden), lambda i: (i, 0)),
            pl.BlockSpec((n_exp, hidden), lambda i: (0, 0)),
            pl.BlockSpec((1, n_exp), lambda i: (0, 0)),
        ],
        out_specs=pl.BlockSpec((n_exp, _BLOCK), lambda i: (0, i)),
        out_shape=jax.ShapeDtypeStruct((n_exp, n_tokens), jnp.float32),
    )(hidden_states, w, b2)


def _sc_route(probs_t):
    n_exp, n_tokens = probs_t.shape
    tok_per_w = n_tokens // _NW
    n_groups = tok_per_w // _LANES
    mesh = plsc.VectorSubcoreMesh(core_axis_name="c", subcore_axis_name="s")
    cp = pltpu.CompilerParams()
    if "needs_layout_passes" in pltpu.CompilerParams.__dataclass_fields__:
        cp = dataclasses.replace(cp, needs_layout_passes=False)

    half_tok = tok_per_w // 2
    half_groups = n_groups // 2
    half_elems = half_tok * _TOPK

    @functools.partial(
        pl.kernel,
        mesh=mesh,
        compiler_params=cp,
        out_type=[
            jax.ShapeDtypeStruct((n_tokens * _TOPK,), jnp.float32),
            jax.ShapeDtypeStruct((n_tokens * _TOPK,), jnp.int32),
        ],
        scratch_types=[
            pltpu.VMEM((_NUM_EXPERTS, tok_per_w), jnp.float32),
            pltpu.VMEM((tok_per_w * _TOPK,), jnp.float32),
            pltpu.VMEM((tok_per_w * _TOPK,), jnp.int32),
            pltpu.SemaphoreType.DMA,
            pltpu.SemaphoreType.DMA,
            pltpu.SemaphoreType.DMA,
        ],
    )
    def route(p_hbm, w_hbm, i_hbm, p_v, w_v, i_v, sem0, sem1, osem):
        wid = lax.axis_index("s") * _NUM_CORES + lax.axis_index("c")
        base = wid * tok_per_w

        cp0 = pltpu.make_async_copy(
            p_hbm.at[:, pl.ds(base, half_tok)],
            p_v.at[:, pl.ds(0, half_tok)], sem0)
        cp1 = pltpu.make_async_copy(
            p_hbm.at[:, pl.ds(base + half_tok, half_tok)],
            p_v.at[:, pl.ds(half_tok, half_tok)], sem1)
        cp0.start()
        cp1.start()

        def top2_group(g):
            t0 = g * _LANES
            m1 = p_v[0, pl.ds(t0, _LANES)]
            i1 = jnp.zeros((_LANES,), jnp.int32)
            m2 = jnp.full((_LANES,), -1.0, jnp.float32)
            i2 = jnp.zeros((_LANES,), jnp.int32)
            for e in range(1, _NUM_EXPERTS):
                v = p_v[e, pl.ds(t0, _LANES)]
                ecst = jnp.full((_LANES,), e, jnp.int32)
                gt1 = v > m1
                gt2 = v > m2
                m2n = jnp.where(gt1, m1, jnp.where(gt2, v, m2))
                i2n = jnp.where(gt1, i1, jnp.where(gt2, ecst, i2))
                m1 = jnp.where(gt1, v, m1)
                i1 = jnp.where(gt1, ecst, i1)
                m2 = m2n
                i2 = i2n
            s = m1 + m2
            off = (g >> 3) * (2 * 128) + (g & 7) * _LANES
            w_v[pl.ds(off, _LANES)] = m1 / s
            w_v[pl.ds(off + 128, _LANES)] = m2 / s
            i_v[pl.ds(off, _LANES)] = i1
            i_v[pl.ds(off + 128, _LANES)] = i2

        cp0.wait()

        @pl.loop(0, half_groups)
        def _(g):
            top2_group(g)

        ow0 = pltpu.make_async_copy(
            w_v.at[pl.ds(0, half_elems)],
            w_hbm.at[pl.ds(base * _TOPK, half_elems)], osem)
        oi0 = pltpu.make_async_copy(
            i_v.at[pl.ds(0, half_elems)],
            i_hbm.at[pl.ds(base * _TOPK, half_elems)], osem)
        ow0.start()
        oi0.start()
        cp1.wait()

        @pl.loop(half_groups, n_groups)
        def _(g):
            top2_group(g)

        ow1 = pltpu.make_async_copy(
            w_v.at[pl.ds(half_elems, half_elems)],
            w_hbm.at[pl.ds(base * _TOPK + half_elems, half_elems)], osem)
        oi1 = pltpu.make_async_copy(
            i_v.at[pl.ds(half_elems, half_elems)],
            i_hbm.at[pl.ds(base * _TOPK + half_elems, half_elems)], osem)
        ow1.start()
        oi1.start()
        ow0.wait()
        oi0.wait()
        ow1.wait()
        oi1.wait()

    return route(probs_t)


def kernel(hidden_states, W, b):
    n_tokens, hidden = hidden_states.shape
    n_exp = W.shape[0]
    b2 = b.reshape(1, n_exp)
    probs_t = _tc_probs(hidden_states, W, b2)
    w_flat, i_flat = _sc_route(probs_t)
    rw = (w_flat.reshape(n_tokens // 128, _TOPK, 128)
          .transpose(0, 2, 1).reshape(n_tokens, _TOPK))
    ri = (i_flat.reshape(n_tokens // 128, _TOPK, 128)
          .transpose(0, 2, 1).reshape(n_tokens, _TOPK))
    return (rw, ri, probs_t.T)

# --- scband reference (transcript-rebuilt; emitter-appended) ---
"""Pipeline reference for scband-custom-mo-erouter-54494545052069 (READ-ONLY COPY).

The authoritative reference and input builder live on the scoring server;
editing this copy changes nothing except your own understanding.
"""

import jax, jax.numpy as jnp
import numpy as np

NUM_TOKENS = 32768
HIDDEN = 768
NUM_EXPERTS = 8
TOPK = 2

def setup_inputs(seed: int = 0) -> dict:
    key = jax.random.key(seed)
    k1, k2 = jax.random.split(key, 2)
    hidden_states = jax.random.normal(k1, (NUM_TOKENS, HIDDEN), dtype=jnp.float32)
    # router Linear params: weight [num_experts, hidden], bias [num_experts]
    W = jax.random.normal(k2, (NUM_EXPERTS, HIDDEN), dtype=jnp.float32) * 0.02
    b = jnp.zeros((NUM_EXPERTS,), dtype=jnp.float32)
    return {"hidden_states": hidden_states, "W": W, "b": b}

def reference(hidden_states, W, b):
    # router_logits = Linear(hidden_states)
    router_logits = hidden_states @ W.T + b
    # sigmoid gating (not softmax)
    router_probs = jax.nn.sigmoid(router_logits)
    # top-k over experts
    routing_weights, routing_indices = jax.lax.top_k(router_probs, TOPK)
    # normalize selected weights to sum to 1
    routing_weights = routing_weights / jnp.sum(routing_weights, axis=-1, keepdims=True)
    return (routing_weights, routing_indices, router_probs)

if __name__ == "__main__":
    import jax
    _d = setup_inputs()
    print(jax.jit(kernel)(*tuple(_d.values())))

</pallas_src>

<mosaic_0001>
#map = affine_map<(d0, d1) -> (0, 0)>
#map1 = affine_map<(d0, d1) -> (0)>
module attributes {stable_mosaic.version = 14 : i64} {
  func.func @route(%arg0: i32, %arg1: i32, %arg2: memref<8x32768xf32, #tpu.memory_space<hbm>>, %arg3: memref<65536xf32, #tpu.memory_space<hbm>>, %arg4: memref<65536xi32, #tpu.memory_space<hbm>>, %arg5: memref<8x1024xf32, #tpu.memory_space<vmem>>, %arg6: memref<2048xf32, #tpu.memory_space<vmem>>, %arg7: memref<2048xi32, #tpu.memory_space<vmem>>, %arg8: memref<!tpu.dma_semaphore, #tpu.memory_space<semaphore_mem>>, %arg9: memref<!tpu.dma_semaphore, #tpu.memory_space<semaphore_mem>>, %arg10: memref<!tpu.dma_semaphore, #tpu.memory_space<semaphore_mem>>) attributes {dimension_semantics = [#tpu.dimension_semantics<core_parallel>, #tpu.dimension_semantics<subcore_parallel>], iteration_bounds = array<i64: 2, 16>, scalar_prefetch = 0 : i64, scratch_operands = 6 : i64, tpu.core_type = #tpu.core_type<sc_vector_subcore>, window_params = [{transform_indices = #map}, {transform_indices = #map1}, {transform_indices = #map1}]} {
    %mul3A = arith.constant 2 : i32
    %mul3A_0 = arith.muli %arg1, %mul3A : i32
    %add3A = arith.addi %mul3A_0, %arg0 : i32
    %mul3A_1 = arith.constant 1024 : i32
    %mul3A_2 = arith.muli %add3A, %mul3A_1 : i32
    %add3A_3 = arith.constant 512 : i32
    %add3A_4 = arith.addi %mul3A_2, %add3A_3 : i32
    %dma_start3A = arith.constant 0 : i32
    %dma_start3A_5 = arith.constant 0 : i32
    %dma_start3A_6 = tpu.memref_slice %arg5[%dma_start3A, %dma_start3A_5] : memref<8x1024xf32, #tpu.memory_space<vmem>> -> memref<8x512xf32, #tpu.memory_space<vmem>>
    %dma_start3A_7 = arith.constant 0 : i32
    %dma_start3A_8 = tpu.memref_slice %arg2[%dma_start3A_7, %mul3A_2] : memref<8x32768xf32, #tpu.memory_space<hbm>> -> memref<8x512xf32, #tpu.memory_space<hbm>>
    %dma_start3A_9 = arith.constant 0 : i32
    %dma_start3A_10 = arith.constant 0 : i32
    %dma_start3A_11 = tpu.memref_slice %arg5[%dma_start3A_9, %dma_start3A_10] : memref<8x1024xf32, #tpu.memory_space<vmem>> -> memref<8x512xf32, #tpu.memory_space<vmem>>
    %dma_start3A_12 = arith.constant 0 : i32
    %dma_start3A_13 = tpu.memref_slice %arg2[%dma_start3A_12, %mul3A_2] : memref<8x32768xf32, #tpu.memory_space<hbm>> -> memref<8x512xf32, #tpu.memory_space<hbm>>
    tpu.enqueue_dma source(%dma_start3A_13 : memref<8x512xf32, #tpu.memory_space<hbm>>) target(%dma_start3A_11 : memref<8x512xf32, #tpu.memory_space<vmem>>) target_semaphore(%arg8 : memref<!tpu.dma_semaphore, #tpu.memory_space<semaphore_mem>>)
    %dma_start3A_14 = arith.constant 0 : i32
    %dma_start3A_15 = arith.constant 512 : i32
    %dma_start3A_16 = tpu.memref_slice %arg5[%dma_start3A_14, %dma_start3A_15] : memref<8x1024xf32, #tpu.memory_space<vmem>> -> memref<8x512xf32, #tpu.memory_space<vmem>>
    %dma_start3A_17 = arith.constant 0 : i32
    %dma_start3A_18 = tpu.memref_slice %arg2[%dma_start3A_17, %add3A_4] : memref<8x32768xf32, #tpu.memory_space<hbm>> -> memref<8x512xf32, #tpu.memory_space<hbm>>
    %dma_start3A_19 = arith.constant 0 : i32
    %dma_start3A_20 = arith.constant 512 : i32
    %dma_start3A_21 = tpu.memref_slice %arg5[%dma_start3A_19, %dma_start3A_20] : memref<8x1024xf32, #tpu.memory_space<vmem>> -> memref<8x512xf32, #tpu.memory_space<vmem>>
    %dma_start3A_22 = arith.constant 0 : i32
    %dma_start3A_23 = tpu.memref_slice %arg2[%dma_start3A_22, %add3A_4] : memref<8x32768xf32, #tpu.memory_space<hbm>> -> memref<8x512xf32, #tpu.memory_space<hbm>>
    tpu.enqueue_dma source(%dma_start3A_23 : memref<8x512xf32, #tpu.memory_space<hbm>>) target(%dma_start3A_21 : memref<8x512xf32, #tpu.memory_space<vmem>>) target_semaphore(%arg9 : memref<!tpu.dma_semaphore, #tpu.memory_space<semaphore_mem>>)
    %dma_wait3A = arith.constant 0 : i32
    %dma_wait3A_24 = arith.constant 0 : i32
    %dma_wait3A_25 = tpu.memref_slice %arg5[%dma_wait3A, %dma_wait3A_24] : memref<8x1024xf32, #tpu.memory_space<vmem>> -> memref<8x512xf32, #tpu.memory_space<vmem>>
    %dma_wait3A_26 = arith.constant 0 : i32
    %dma_wait3A_27 = tpu.memref_slice %arg2[%dma_wait3A_26, %mul3A_2] : memref<8x32768xf32, #tpu.memory_space<hbm>> -> memref<8x512xf32, #tpu.memory_space<hbm>>
    %dma_wait3A_28 = arith.constant 0 : i32
    %dma_wait3A_29 = arith.constant 0 : i32
    %dma_wait3A_30 = tpu.memref_slice %arg5[%dma_wait3A_28, %dma_wait3A_29] : memref<8x1024xf32, #tpu.memory_space<vmem>> -> memref<8x512xf32, #tpu.memory_space<vmem>>
    %dma_wait3A_31 = arith.constant 0 : i32
    %dma_wait3A_32 = tpu.memref_slice %arg2[%dma_wait3A_31, %mul3A_2] : memref<8x32768xf32, #tpu.memory_space<hbm>> -> memref<8x512xf32, #tpu.memory_space<hbm>>
    tpu.wait_dma2 semaphore(%arg8 : memref<!tpu.dma_semaphore, #tpu.memory_space<semaphore_mem>>) src(%dma_wait3A_32 : memref<8x512xf32, #tpu.memory_space<hbm>>) dst(%dma_wait3A_30 : memref<8x512xf32, #tpu.memory_space<vmem>>)
    %scan3A = arith.constant 0 : i32
    %scan3A_33 = arith.constant 32 : i32
    %scan3A_34 = arith.addi %scan3A, %scan3A_33 : i32
    %scan3A_35 = arith.constant 1 : i32
    scf.for %scan3A_112 = %scan3A to %scan3A_34 step %scan3A_35  : i32 {
      %mul3A_113 = arith.constant 1 : i32
      %mul3A_114 = arith.muli %scan3A_112, %mul3A_113 : i32
      %add3A_115 = arith.constant 0 : i32
      %add3A_116 = arith.addi %add3A_115, %mul3A_114 : i32
      %mul3A_117 = arith.constant 16 : i32
      %mul3A_118 = arith.muli %add3A_116, %mul3A_117 : i32
      %get3A = arith.constant 0 : i32
      %get3A_119 = arith.index_cast %get3A : i32 to index
      %get3A_120 = arith.index_cast %mul3A_118 : i32 to index
      %get3A_121 = tpu.vector_load %arg5[%get3A_119, %get3A_120] {strides = array<i32>} : memref<8x1024xf32, #tpu.memory_space<vmem>>, vector<16xf32>,
      %broadcast_in_dim3A = arith.constant 0 : i32
      %broadcast_in_dim3A_122 = vector.broadcast %broadcast_in_dim3A : i32 to vector<16xi32>
      %broadcast_in_dim3A_123 = arith.constant -1.000000e+00 : f32
      %broadcast_in_dim3A_124 = vector.broadcast %broadcast_in_dim3A_123 : f32 to vector<16xf32>
      %broadcast_in_dim3A_125 = arith.constant 0 : i32
      %broadcast_in_dim3A_126 = vector.broadcast %broadcast_in_dim3A_125 : i32 to vector<16xi32>
      %get3A_127 = arith.constant 1 : i32
      %get3A_128 = arith.index_cast %get3A_127 : i32 to index
      %get3A_129 = arith.index_cast %mul3A_118 : i32 to index
      %get3A_130 = tpu.vector_load %arg5[%get3A_128, %get3A_129] {strides = array<i32>} : memref<8x1024xf32, #tpu.memory_space<vmem>>, vector<16xf32>,
      %broadcast_in_dim3A_131 = arith.constant 1 : i32
      %broadcast_in_dim3A_132 = vector.broadcast %broadcast_in_dim3A_131 : i32 to vector<16xi32>
      %gt3A = arith.cmpf ogt, %get3A_130, %get3A_121 : vector<16xf32>
      %gt3A_133 = arith.cmpf ogt, %get3A_130, %broadcast_in_dim3A_124 : vector<16xf32>
      %select_n3A = arith.select %gt3A_133, %get3A_130, %broadcast_in_dim3A_124 : vector<16xi1>, vector<16xf32>
      %select_n3A_134 = arith.select %gt3A, %get3A_121, %select_n3A : vector<16xi1>, vector<16xf32>
      %select_n3A_135 = arith.select %gt3A_133, %broadcast_in_dim3A_132, %broadcast_in_dim3A_126 : vector<16xi1>, vector<16xi32>
      %select_n3A_136 = arith.select %gt3A, %broadcast_in_dim3A_122, %select_n3A_135 : vector<16xi1>, vector<16xi32>
      %select_n3A_137 = arith.select %gt3A, %get3A_130, %get3A_121 : vector<16xi1>, vector<16xf32>
      %select_n3A_138 = arith.select %gt3A, %broadcast_in_dim3A_132, %broadcast_in_dim3A_122 : vector<16xi1>, vector<16xi32>
      %get3A_139 = arith.constant 2 : i32
      %get3A_140 = arith.index_cast %get3A_139 : i32 to index
      %get3A_141 = arith.index_cast %mul3A_118 : i32 to index
      %get3A_142 = tpu.vector_load %arg5[%get3A_140, %get3A_141] {strides = array<i32>} : memref<8x1024xf32, #tpu.memory_space<vmem>>, vector<16xf32>,
      %broadcast_in_dim3A_143 = arith.constant 2 : i32
      %broadcast_in_dim3A_144 = vector.broadcast %broadcast_in_dim3A_143 : i32 to vector<16xi32>
      %gt3A_145 = arith.cmpf ogt, %get3A_142, %select_n3A_137 : vector<16xf32>
      %gt3A_146 = arith.cmpf ogt, %get3A_142, %select_n3A_134 : vector<16xf32>
      %select_n3A_147 = arith.select %gt3A_146, %get3A_142, %select_n3A_134 : vector<16xi1>, vector<16xf32>
      %select_n3A_148 = arith.select %gt3A_145, %select_n3A_137, %select_n3A_147 : vector<16xi1>, vector<16xf32>
      %select_n3A_149 = arith.select %gt3A_146, %broadcast_in_dim3A_144, %select_n3A_136 : vector<16xi1>, vector<16xi32>
      %select_n3A_150 = arith.select %gt3A_145, %select_n3A_138, %select_n3A_149 : vector<16xi1>, vector<16xi32>
      %select_n3A_151 = arith.select %gt3A_145, %get3A_142, %select_n3A_137 : vector<16xi1>, vector<16xf32>
      %select_n3A_152 = arith.select %gt3A_145, %broadcast_in_dim3A_144, %select_n3A_138 : vector<16xi1>, vector<16xi32>
      %get3A_153 = arith.constant 3 : i32
      %get3A_154 = arith.index_cast %get3A_153 : i32 to index
      %get3A_155 = arith.index_cast %mul3A_118 : i32 to index
      %get3A_156 = tpu.vector_load %arg5[%get3A_154, %get3A_155] {strides = array<i32>} : memref<8x1024xf32, #tpu.memory_space<vmem>>, vector<16xf32>,
      %broadcast_in_dim3A_157 = arith.constant 3 : i32
      %broadcast_in_dim3A_158 = vector.broadcast %broadcast_in_dim3A_157 : i32 to vector<16xi32>
      %gt3A_159 = arith.cmpf ogt, %get3A_156, %select_n3A_151 : vector<16xf32>
      %gt3A_160 = arith.cmpf ogt, %get3A_156, %select_n3A_148 : vector<16xf32>
      %select_n3A_161 = arith.select %gt3A_160, %get3A_156, %select_n3A_148 : vector<16xi1>, vector<16xf32>
      %select_n3A_162 = arith.select %gt3A_159, %select_n3A_151, %select_n3A_161 : vector<16xi1>, vector<16xf32>
      %select_n3A_163 = arith.select %gt3A_160, %broadcast_in_dim3A_158, %select_n3A_150 : vector<16xi1>, vector<16xi32>
      %select_n3A_164 = arith.select %gt3A_159, %select_n3A_152, %select_n3A_163 : vector<16xi1>, vector<16xi32>
      %select_n3A_165 = arith.select %gt3A_159, %get3A_156, %select_n3A_151 : vector<16xi1>, vector<16xf32>
      %select_n3A_166 = arith.select %gt3A_159, %broadcast_in_dim3A_158, %select_n3A_152 : vector<16xi1>, vector<16xi32>
      %get3A_167 = arith.constant 4 : i32
      %get3A_168 = arith.index_cast %get3A_167 : i32 to index
      %get3A_169 = arith.index_cast %mul3A_118 : i32 to index
      %get3A_170 = tpu.vector_load %arg5[%get3A_168, %get3A_169] {strides = array<i32>} : memref<8x1024xf32, #tpu.memory_space<vmem>>, vector<16xf32>,
      %broadcast_in_dim3A_171 = arith.constant 4 : i32
      %broadcast_in_dim3A_172 = vector.broadcast %broadcast_in_dim3A_171 : i32 to vector<16xi32>
      %gt3A_173 = arith.cmpf ogt, %get3A_170, %select_n3A_165 : vector<16xf32>
      %gt3A_174 = arith.cmpf ogt, %get3A_170, %select_n3A_162 : vector<16xf32>
      %select_n3A_175 = arith.select %gt3A_174, %get3A_170, %select_n3A_162 : vector<16xi1>, vector<16xf32>
      %select_n3A_176 = arith.select %gt3A_173, %select_n3A_165, %select_n3A_175 : vector<16xi1>, vector<16xf32>
      %select_n3A_177 = arith.select %gt3A_174, %broadcast_in_dim3A_172, %select_n3A_164 : vector<16xi1>, vector<16xi32>
      %select_n3A_178 = arith.select %gt3A_173, %select_n3A_166, %select_n3A_177 : vector<16xi1>, vector<16xi32>
      %select_n3A_179 = arith.select %gt3A_173, %get3A_170, %select_n3A_165 : vector<16xi1>, vector<16xf32>
      %select_n3A_180 = arith.select %gt3A_173, %broadcast_in_dim3A_172, %select_n3A_166 : vector<16xi1>, vector<16xi32>
      %get3A_181 = arith.constant 5 : i32
      %get3A_182 = arith.index_cast %get3A_181 : i32 to index
      %get3A_183 = arith.index_cast %mul3A_118 : i32 to index
      %get3A_184 = tpu.vector_load %arg5[%get3A_182, %get3A_183] {strides = array<i32>} : memref<8x1024xf32, #tpu.memory_space<vmem>>, vector<16xf32>,
      %broadcast_in_dim3A_185 = arith.constant 5 : i32
      %broadcast_in_dim3A_186 = vector.broadcast %broadcast_in_dim3A_185 : i32 to vector<16xi32>
      %gt3A_187 = arith.cmpf ogt, %get3A_184, %select_n3A_179 : vector<16xf32>
      %gt3A_188 = arith.cmpf ogt, %get3A_184, %select_n3A_176 : vector<16xf32>
      %select_n3A_189 = arith.select %gt3A_188, %get3A_184, %select_n3A_176 : vector<16xi1>, vector<16xf32>
      %select_n3A_190 = arith.select %gt3A_187, %select_n3A_179, %select_n3A_189 : vector<16xi1>, vector<16xf32>
      %select_n3A_191 = arith.select %gt3A_188, %broadcast_in_dim3A_186, %select_n3A_178 : vector<16xi1>, vector<16xi32>
      %select_n3A_192 = arith.select %gt3A_187, %select_n3A_180, %select_n3A_191 : vector<16xi1>, vector<16xi32>
      %select_n3A_193 = arith.select %gt3A_187, %get3A_184, %select_n3A_179 : vector<16xi1>, vector<16xf32>
      %select_n3A_194 = arith.select %gt3A_187, %broadcast_in_dim3A_186, %select_n3A_180 : vector<16xi1>, vector<16xi32>
      %get3A_195 = arith.constant 6 : i32
      %get3A_196 = arith.index_cast %get3A_195 : i32 to index
      %get3A_197 = arith.index_cast %mul3A_118 : i32 to index
      %get3A_198 = tpu.vector_load %arg5[%get3A_196, %get3A_197] {strides = array<i32>} : memref<8x1024xf32, #tpu.memory_space<vmem>>, vector<16xf32>,
      %broadcast_in_dim3A_199 = arith.constant 6 : i32
      %broadcast_in_dim3A_200 = vector.broadcast %broadcast_in_dim3A_199 : i32 to vector<16xi32>
      %gt3A_201 = arith.cmpf ogt, %get3A_198, %select_n3A_193 : vector<16xf32>
      %gt3A_202 = arith.cmpf ogt, %get3A_198, %select_n3A_190 : vector<16xf32>
      %select_n3A_203 = arith.select %gt3A_202, %get3A_198, %select_n3A_190 : vector<16xi1>, vector<16xf32>
      %select_n3A_204 = arith.select %gt3A_201, %select_n3A_193, %select_n3A_203 : vector<16xi1>, vector<16xf32>
      %select_n3A_205 = arith.select %gt3A_202, %broadcast_in_dim3A_200, %select_n3A_192 : vector<16xi1>, vector<16xi32>
      %select_n3A_206 = arith.select %gt3A_201, %select_n3A_194, %select_n3A_205 : vector<16xi1>, vector<16xi32>
      %select_n3A_207 = arith.select %gt3A_201, %get3A_198, %select_n3A_193 : vector<16xi1>, vector<16xf32>
      %select_n3A_208 = arith.select %gt3A_201, %broadcast_in_dim3A_200, %select_n3A_194 : vector<16xi1>, vector<16xi32>
      %get3A_209 = arith.constant 7 : i32
      %get3A_210 = arith.index_cast %get3A_209 : i32 to index
      %get3A_211 = arith.index_cast %mul3A_118 : i32 to index
      %get3A_212 = tpu.vector_load %arg5[%get3A_210, %get3A_211] {strides = array<i32>} : memref<8x1024xf32, #tpu.memory_space<vmem>>, vector<16xf32>,
      %broadcast_in_dim3A_213 = arith.constant 7 : i32
      %broadcast_in_dim3A_214 = vector.broadcast %broadcast_in_dim3A_213 : i32 to vector<16xi32>
      %gt3A_215 = arith.cmpf ogt, %get3A_212, %select_n3A_207 : vector<16xf32>
      %gt3A_216 = arith.cmpf ogt, %get3A_212, %select_n3A_204 : vector<16xf32>
      %select_n3A_217 = arith.select %gt3A_216, %get3A_212, %select_n3A_204 : vector<16xi1>, vector<16xf32>
      %select_n3A_218 = arith.select %gt3A_215, %select_n3A_207, %select_n3A_217 : vector<16xi1>, vector<16xf32>
      %select_n3A_219 = arith.select %gt3A_216, %broadcast_in_dim3A_214, %select_n3A_206 : vector<16xi1>, vector<16xi32>
      %select_n3A_220 = arith.select %gt3A_215, %select_n3A_208, %select_n3A_219 : vector<16xi1>, vector<16xi32>
      %select_n3A_221 = arith.select %gt3A_215, %get3A_212, %select_n3A_207 : vector<16xi1>, vector<16xf32>
      %select_n3A_222 = arith.select %gt3A_215, %broadcast_in_dim3A_214, %select_n3A_208 : vector<16xi1>, vector<16xi32>
      %add3A_223 = arith.addf %select_n3A_221, %select_n3A_218 : vector<16xf32>
      %shift_right_arithmetic3A = arith.constant 3 : i32
      %shift_right_arithmetic3A_224 = arith.shrsi %add3A_116, %shift_right_arithmetic3A : i32
      %mul3A_225 = arith.constant 256 : i32
      %mul3A_226 = arith.muli %shift_right_arithmetic3A_224, %mul3A_225 : i32
      %and3A = arith.constant 7 : i32
      %and3A_227 = arith.andi %add3A_116, %and3A : i32
      %mul3A_228 = arith.constant 16 : i32
      %mul3A_229 = arith.muli %and3A_227, %mul3A_228 : i32
      %add3A_230 = arith.addi %mul3A_226, %mul3A_229 : i32
      %div3A = arith.divf %select_n3A_221, %add3A_223 : vector<16xf32>
      %swap3A = arith.index_cast %add3A_230 : i32 to index
      %swap3A_231 = tpu.vector_load %arg6[%swap3A] {strides = array<i32>} : memref<2048xf32, #tpu.memory_space<vmem>>, vector<16xf32>,
      tpu.vector_store %arg6[%swap3A], %div3A {strides = array<i32>} : memref<2048xf32, #tpu.memory_space<vmem>>, vector<16xf32>,
      %div3A_232 = arith.divf %select_n3A_218, %add3A_223 : vector<16xf32>
      %add3A_233 = arith.constant 128 : i32
      %add3A_234 = arith.addi %add3A_230, %add3A_233 : i32
      %swap3A_235 = arith.index_cast %add3A_234 : i32 to index
      %swap3A_236 = tpu.vector_load %arg6[%swap3A_235] {strides = array<i32>} : memref<2048xf32, #tpu.memory_space<vmem>>, vector<16xf32>,
      tpu.vector_store %arg6[%swap3A_235], %div3A_232 {strides = array<i32>} : memref<2048xf32, #tpu.memory_space<vmem>>, vector<16xf32>,
      %swap3A_237 = arith.index_cast %add3A_230 : i32 to index
      %swap3A_238 = tpu.vector_load %arg7[%swap3A_237] {strides = array<i32>} : memref<2048xi32, #tpu.memory_space<vmem>>, vector<16xi32>,
      tpu.vector_store %arg7[%swap3A_237], %select_n3A_222 {strides = array<i32>} : memref<2048xi32, #tpu.memory_space<vmem>>, vector<16xi32>,
      %add3A_239 = arith.constant 128 : i32
      %add3A_240 = arith.addi %add3A_230, %add3A_239 : i32
      %swap3A_241 = arith.index_cast %add3A_240 : i32 to index
      %swap3A_242 = tpu.vector_load %arg7[%swap3A_241] {strides = array<i32>} : memref<2048xi32, #tpu.memory_space<vmem>>, vector<16xi32>,
      tpu.vector_store %arg7[%swap3A_241], %select_n3A_220 {strides = array<i32>} : memref<2048xi32, #tpu.memory_space<vmem>>, vector<16xi32>,
    }
    %scan3A_36 = arith.constant 32 : i32
    %mul3A_37 = arith.constant 2 : i32
    %mul3A_38 = arith.muli %mul3A_2, %mul3A_37 : i32
    %mul3A_39 = arith.constant 2 : i32
    %mul3A_40 = arith.muli %mul3A_2, %mul3A_39 : i32
    %dma_start3A_41 = arith.constant 0 : i32
    %dma_start3A_42 = tpu.memref_slice %arg6[%dma_start3A_41] : memref<2048xf32, #tpu.memory_space<vmem>> -> memref<1024xf32, #tpu.memory_space<vmem>>
    %dma_start3A_43 = tpu.memref_slice %arg3[%mul3A_38] : memref<65536xf32, #tpu.memory_space<hbm>> -> memref<1024xf32, #tpu.memory_space<hbm>>
    %dma_start3A_44 = tpu.memref_slice %arg3[%mul3A_38] : memref<65536xf32, #tpu.memory_space<hbm>> -> memref<1024xf32, #tpu.memory_space<hbm>>
    %dma_start3A_45 = arith.constant 0 : i32
    %dma_start3A_46 = tpu.memref_slice %arg6[%dma_start3A_45] : memref<2048xf32, #tpu.memory_space<vmem>> -> memref<1024xf32, #tpu.memory_space<vmem>>
    tpu.enqueue_dma source(%dma_start3A_46 : memref<1024xf32, #tpu.memory_space<vmem>>) target(%dma_start3A_44 : memref<1024xf32, #tpu.memory_space<hbm>>) target_semaphore(%arg10 : memref<!tpu.dma_semaphore, #tpu.memory_space<semaphore_mem>>)
    %dma_start3A_47 = arith.constant 0 : i32
    %dma_start3A_48 = tpu.memref_slice %arg7[%dma_start3A_47] : memref<2048xi32, #tpu.memory_space<vmem>> -> memref<1024xi32, #tpu.memory_space<vmem>>
    %dma_start3A_49 = tpu.memref_slice %arg4[%mul3A_40] : memref<65536xi32, #tpu.memory_space<hbm>> -> memref<1024xi32, #tpu.memory_space<hbm>>
    %dma_start3A_50 = tpu.memref_slice %arg4[%mul3A_40] : memref<65536xi32, #tpu.memory_space<hbm>> -> memref<1024xi32, #tpu.memory_space<hbm>>
    %dma_start3A_51 = arith.constant 0 : i32
    %dma_start3A_52 = tpu.memref_slice %arg7[%dma_start3A_51] : memref<2048xi32, #tpu.memory_space<vmem>> -> memref<1024xi32, #tpu.memory_space<vmem>>
    tpu.enqueue_dma source(%dma_start3A_52 : memref<1024xi32, #tpu.memory_space<vmem>>) target(%dma_start3A_50 : memref<1024xi32, #tpu.memory_space<hbm>>) target_semaphore(%arg10 : memref<!tpu.dma_semaphore, #tpu.memory_space<semaphore_mem>>)
    %dma_wait3A_53 = arith.constant 0 : i32
    %dma_wait3A_54 = arith.constant 512 : i32
    %dma_wait3A_55 = tpu.memref_slice %arg5[%dma_wait3A_53, %dma_wait3A_54] : memref<8x1024xf32, #tpu.memory_space<vmem>> -> memref<8x512xf32, #tpu.memory_space<vmem>>
    %dma_wait3A_56 = arith.constant 0 : i32
    %dma_wait3A_57 = tpu.memref_slice %arg2[%dma_wait3A_56, %add3A_4] : memref<8x32768xf32, #tpu.memory_space<hbm>> -> memref<8x512xf32, #tpu.memory_space<hbm>>
    %dma_wait3A_58 = arith.constant 0 : i32
    %dma_wait3A_59 = arith.constant 512 : i32
    %dma_wait3A_60 = tpu.memref_slice %arg5[%dma_wait3A_58, %dma_wait3A_59] : memref<8x1024xf32, #tpu.memory_space<vmem>> -> memref<8x512xf32, #tpu.memory_space<vmem>>
    %dma_wait3A_61 = arith.constant 0 : i32
    %dma_wait3A_62 = tpu.memref_slice %arg2[%dma_wait3A_61, %add3A_4] : memref<8x32768xf32, #tpu.memory_space<hbm>> -> memref<8x512xf32, #tpu.memory_space<hbm>>
    tpu.wait_dma2 semaphore(%arg9 : memref<!tpu.dma_semaphore, #tpu.memory_space<semaphore_mem>>) src(%dma_wait3A_62 : memref<8x512xf32, #tpu.memory_space<hbm>>) dst(%dma_wait3A_60 : memref<8x512xf32, #tpu.memory_space<vmem>>)
    %scan3A_63 = arith.constant 0 : i32
    %scan3A_64 = arith.constant 32 : i32
    %scan3A_65 = arith.addi %scan3A_63, %scan3A_64 : i32
    %scan3A_66 = arith.constant 1 : i32
    scf.for %scan3A_112 = %scan3A_63 to %scan3A_65 step %scan3A_66  : i32 {
      %mul3A_113 = arith.constant 1 : i32
      %mul3A_114 = arith.muli %scan3A_112, %mul3A_113 : i32
      %add3A_115 = arith.constant 32 : i32
      %add3A_116 = arith.addi %add3A_115, %mul3A_114 : i32
      %mul3A_117 = arith.constant 16 : i32
      %mul3A_118 = arith.muli %add3A_116, %mul3A_117 : i32
      %get3A = arith.constant 0 : i32
      %get3A_119 = arith.index_cast %get3A : i32 to index
      %get3A_120 = arith.index_cast %mul3A_118 : i32 to index
      %get3A_121 = tpu.vector_load %arg5[%get3A_119, %get3A_120] {strides = array<i32>} : memref<8x1024xf32, #tpu.memory_space<vmem>>, vector<16xf32>,
      %broadcast_in_dim3A = arith.constant 0 : i32
      %broadcast_in_dim3A_122 = vector.broadcast %broadcast_in_dim3A : i32 to vector<16xi32>
      %broadcast_in_dim3A_123 = arith.constant -1.000000e+00 : f32
      %broadcast_in_dim3A_124 = vector.broadcast %broadcast_in_dim3A_123 : f32 to vector<16xf32>
      %broadcast_in_dim3A_125 = arith.constant 0 : i32
      %broadcast_in_dim3A_126 = vector.broadcast %broadcast_in_dim3A_125 : i32 to vector<16xi32>
      %get3A_127 = arith.constant 1 : i32
      %get3A_128 = arith.index_cast %get3A_127 : i32 to index
      %get3A_129 = arith.index_cast %mul3A_118 : i32 to index
      %get3A_130 = tpu.vector_load %arg5[%get3A_128, %get3A_129] {strides = array<i32>} : memref<8x1024xf32, #tpu.memory_space<vmem>>, vector<16xf32>,
      %broadcast_in_dim3A_131 = arith.constant 1 : i32
      %broadcast_in_dim3A_132 = vector.broadcast %broadcast_in_dim3A_131 : i32 to vector<16xi32>
      %gt3A = arith.cmpf ogt, %get3A_130, %get3A_121 : vector<16xf32>
      %gt3A_133 = arith.cmpf ogt, %get3A_130, %broadcast_in_dim3A_124 : vector<16xf32>
      %select_n3A = arith.select %gt3A_133, %get3A_130, %broadcast_in_dim3A_124 : vector<16xi1>, vector<16xf32>
      %select_n3A_134 = arith.select %gt3A, %get3A_121, %select_n3A : vector<16xi1>, vector<16xf32>
      %select_n3A_135 = arith.select %gt3A_133, %broadcast_in_dim3A_132, %broadcast_in_dim3A_126 : vector<16xi1>, vector<16xi32>
      %select_n3A_136 = arith.select %gt3A, %broadcast_in_dim3A_122, %select_n3A_135 : vector<16xi1>, vector<16xi32>
      %select_n3A_137 = arith.select %gt3A, %get3A_130, %get3A_121 : vector<16xi1>, vector<16xf32>
      %select_n3A_138 = arith.select %gt3A, %broadcast_in_dim3A_132, %broadcast_in_dim3A_122 : vector<16xi1>, vector<16xi32>
      %get3A_139 = arith.constant 2 : i32
      %get3A_140 = arith.index_cast %get3A_139 : i32 to index
      %get3A_141 = arith.index_cast %mul3A_118 : i32 to index
      %get3A_142 = tpu.vector_load %arg5[%get3A_140, %get3A_141] {strides = array<i32>} : memref<8x1024xf32, #tpu.memory_space<vmem>>, vector<16xf32>,
      %broadcast_in_dim3A_143 = arith.constant 2 : i32
      %broadcast_in_dim3A_144 = vector.broadcast %broadcast_in_dim3A_143 : i32 to vector<16xi32>
      %gt3A_145 = arith.cmpf ogt, %get3A_142, %select_n3A_137 : vector<16xf32>
      %gt3A_146 = arith.cmpf ogt, %get3A_142, %select_n3A_134 : vector<16xf32>
      %select_n3A_147 = arith.select %gt3A_146, %get3A_142, %select_n3A_134 : vector<16xi1>, vector<16xf32>
      %select_n3A_148 = arith.select %gt3A_145, %select_n3A_137, %select_n3A_147 : vector<16xi1>, vector<16xf32>
      %select_n3A_149 = arith.select %gt3A_146, %broadcast_in_dim3A_144, %select_n3A_136 : vector<16xi1>, vector<16xi32>
      %select_n3A_150 = arith.select %gt3A_145, %select_n3A_138, %select_n3A_149 : vector<16xi1>, vector<16xi32>
      %select_n3A_151 = arith.select %gt3A_145, %get3A_142, %select_n3A_137 : vector<16xi1>, vector<16xf32>
      %select_n3A_152 = arith.select %gt3A_145, %broadcast_in_dim3A_144, %select_n3A_138 : vector<16xi1>, vector<16xi32>
      %get3A_153 = arith.constant 3 : i32
      %get3A_154 = arith.index_cast %get3A_153 : i32 to index
      %get3A_155 = arith.index_cast %mul3A_118 : i32 to index
      %get3A_156 = tpu.vector_load %arg5[%get3A_154, %get3A_155] {strides = array<i32>} : memref<8x1024xf32, #tpu.memory_space<vmem>>, vector<16xf32>,
      %broadcast_in_dim3A_157 = arith.constant 3 : i32
      %broadcast_in_dim3A_158 = vector.broadcast %broadcast_in_dim3A_157 : i32 to vector<16xi32>
      %gt3A_159 = arith.cmpf ogt, %get3A_156, %select_n3A_151 : vector<16xf32>
      %gt3A_160 = arith.cmpf ogt, %get3A_156, %select_n3A_148 : vector<16xf32>
      %select_n3A_161 = arith.select %gt3A_160, %get3A_156, %select_n3A_148 : vector<16xi1>, vector<16xf32>
      %select_n3A_162 = arith.select %gt3A_159, %select_n3A_151, %select_n3A_161 : vector<16xi1>, vector<16xf32>
      %select_n3A_163 = arith.select %gt3A_160, %broadcast_in_dim3A_158, %select_n3A_150 : vector<16xi1>, vector<16xi32>
      %select_n3A_164 = arith.select %gt3A_159, %select_n3A_152, %select_n3A_163 : vector<16xi1>, vector<16xi32>
      %select_n3A_165 = arith.select %gt3A_159, %get3A_156, %select_n3A_151 : vector<16xi1>, vector<16xf32>
      %select_n3A_166 = arith.select %gt3A_159, %broadcast_in_dim3A_158, %select_n3A_152 : vector<16xi1>, vector<16xi32>
      %get3A_167 = arith.constant 4 : i32
      %get3A_168 = arith.index_cast %get3A_167 : i32 to index
      %get3A_169 = arith.index_cast %mul3A_118 : i32 to index
      %get3A_170 = tpu.vector_load %arg5[%get3A_168, %get3A_169] {strides = array<i32>} : memref<8x1024xf32, #tpu.memory_space<vmem>>, vector<16xf32>,
      %broadcast_in_dim3A_171 = arith.constant 4 : i32
      %broadcast_in_dim3A_172 = vector.broadcast %broadcast_in_dim3A_171 : i32 to vector<16xi32>
      %gt3A_173 = arith.cmpf ogt, %get3A_170, %select_n3A_165 : vector<16xf32>
      %gt3A_174 = arith.cmpf ogt, %get3A_170, %select_n3A_162 : vector<16xf32>
      %select_n3A_175 = arith.select %gt3A_174, %get3A_170, %select_n3A_162 : vector<16xi1>, vector<16xf32>
      %select_n3A_176 = arith.select %gt3A_173, %select_n3A_165, %select_n3A_175 : vector<16xi1>, vector<16xf32>
      %select_n3A_177 = arith.select %gt3A_174, %broadcast_in_dim3A_172, %select_n3A_164 : vector<16xi1>, vector<16xi32>
      %select_n3A_178 = arith.select %gt3A_173, %select_n3A_166, %select_n3A_177 : vector<16xi1>, vector<16xi32>
      %select_n3A_179 = arith.select %gt3A_173, %get3A_170, %select_n3A_165 : vector<16xi1>, vector<16xf32>
      %select_n3A_180 = arith.select %gt3A_173, %broadcast_in_dim3A_172, %select_n3A_166 : vector<16xi1>, vector<16xi32>
      %get3A_181 = arith.constant 5 : i32
      %get3A_182 = arith.index_cast %get3A_181 : i32 to index
      %get3A_183 = arith.index_cast %mul3A_118 : i32 to index
      %get3A_184 = tpu.vector_load %arg5[%get3A_182, %get3A_183] {strides = array<i32>} : memref<8x1024xf32, #tpu.memory_space<vmem>>, vector<16xf32>,
      %broadcast_in_dim3A_185 = arith.constant 5 : i32
      %broadcast_in_dim3A_186 = vector.broadcast %broadcast_in_dim3A_185 : i32 to vector<16xi32>
      %gt3A_187 = arith.cmpf ogt, %get3A_184, %select_n3A_179 : vector<16xf32>
      %gt3A_188 = arith.cmpf ogt, %get3A_184, %select_n3A_176 : vector<16xf32>
      %select_n3A_189 = arith.select %gt3A_188, %get3A_184, %select_n3A_176 : vector<16xi1>, vector<16xf32>
      %select_n3A_190 = arith.select %gt3A_187, %select_n3A_179, %select_n3A_189 : vector<16xi1>, vector<16xf32>
      %select_n3A_191 = arith.select %gt3A_188, %broadcast_in_dim3A_186, %select_n3A_178 : vector<16xi1>, vector<16xi32>
      %select_n3A_192 = arith.select %gt3A_187, %select_n3A_180, %select_n3A_191 : vector<16xi1>, vector<16xi32>
      %select_n3A_193 = arith.select %gt3A_187, %get3A_184, %select_n3A_179 : vector<16xi1>, vector<16xf32>
      %select_n3A_194 = arith.select %gt3A_187, %broadcast_in_dim3A_186, %select_n3A_180 : vector<16xi1>, vector<16xi32>
      %get3A_195 = arith.constant 6 : i32
      %get3A_196 = arith.index_cast %get3A_195 : i32 to index
      %get3A_197 = arith.index_cast %mul3A_118 : i32 to index
      %get3A_198 = tpu.vector_load %arg5[%get3A_196, %get3A_197] {strides = array<i32>} : memref<8x1024xf32, #tpu.memory_space<vmem>>, vector<16xf32>,
      %broadcast_in_dim3A_199 = arith.constant 6 : i32
      %broadcast_in_dim3A_200 = vector.broadcast %broadcast_in_dim3A_199 : i32 to vector<16xi32>
      %gt3A_201 = arith.cmpf ogt, %get3A_198, %select_n3A_193 : vector<16xf32>
      %gt3A_202 = arith.cmpf ogt, %get3A_198, %select_n3A_190 : vector<16xf32>
      %select_n3A_203 = arith.select %gt3A_202, %get3A_198, %select_n3A_190 : vector<16xi1>, vector<16xf32>
      %select_n3A_204 = arith.select %gt3A_201, %select_n3A_193, %select_n3A_203 : vector<16xi1>, vector<16xf32>
      %select_n3A_205 = arith.select %gt3A_202, %broadcast_in_dim3A_200, %select_n3A_192 : vector<16xi1>, vector<16xi32>
      %select_n3A_206 = arith.select %gt3A_201, %select_n3A_194, %select_n3A_205 : vector<16xi1>, vector<16xi32>
      %select_n3A_207 = arith.select %gt3A_201, %get3A_198, %select_n3A_193 : vector<16xi1>, vector<16xf32>
      %select_n3A_208 = arith.select %gt3A_201, %broadcast_in_dim3A_200, %select_n3A_194 : vector<16xi1>, vector<16xi32>
      %get3A_209 = arith.constant 7 : i32
      %get3A_210 = arith.index_cast %get3A_209 : i32 to index
      %get3A_211 = arith.index_cast %mul3A_118 : i32 to index
      %get3A_212 = tpu.vector_load %arg5[%get3A_210, %get3A_211] {strides = array<i32>} : memref<8x1024xf32, #tpu.memory_space<vmem>>, vector<16xf32>,
      %broadcast_in_dim3A_213 = arith.constant 7 : i32
      %broadcast_in_dim3A_214 = vector.broadcast %broadcast_in_dim3A_213 : i32 to vector<16xi32>
      %gt3A_215 = arith.cmpf ogt, %get3A_212, %select_n3A_207 : vector<16xf32>
      %gt3A_216 = arith.cmpf ogt, %get3A_212, %select_n3A_204 : vector<16xf32>
      %select_n3A_217 = arith.select %gt3A_216, %get3A_212, %select_n3A_204 : vector<16xi1>, vector<16xf32>
      %select_n3A_218 = arith.select %gt3A_215, %select_n3A_207, %select_n3A_217 : vector<16xi1>, vector<16xf32>
      %select_n3A_219 = arith.select %gt3A_216, %broadcast_in_dim3A_214, %select_n3A_206 : vector<16xi1>, vector<16xi32>
      %select_n3A_220 = arith.select %gt3A_215, %select_n3A_208, %select_n3A_219 : vector<16xi1>, vector<16xi32>
      %select_n3A_221 = arith.select %gt3A_215, %get3A_212, %select_n3A_207 : vector<16xi1>, vector<16xf32>
      %select_n3A_222 = arith.select %gt3A_215, %broadcast_in_dim3A_214, %select_n3A_208 : vector<16xi1>, vector<16xi32>
      %add3A_223 = arith.addf %select_n3A_221, %select_n3A_218 : vector<16xf32>
      %shift_right_arithmetic3A = arith.constant 3 : i32
      %shift_right_arithmetic3A_224 = arith.shrsi %add3A_116, %shift_right_arithmetic3A : i32
      %mul3A_225 = arith.constant 256 : i32
      %mul3A_226 = arith.muli %shift_right_arithmetic3A_224, %mul3A_225 : i32
      %and3A = arith.constant 7 : i32
      %and3A_227 = arith.andi %add3A_116, %and3A : i32
      %mul3A_228 = arith.constant 16 : i32
      %mul3A_229 = arith.muli %and3A_227, %mul3A_228 : i32
      %add3A_230 = arith.addi %mul3A_226, %mul3A_229 : i32
      %div3A = arith.divf %select_n3A_221, %add3A_223 : vector<16xf32>
      %swap3A = arith.index_cast %add3A_230 : i32 to index
      %swap3A_231 = tpu.vector_load %arg6[%swap3A] {strides = array<i32>} : memref<2048xf32, #tpu.memory_space<vmem>>, vector<16xf32>,
      tpu.vector_store %arg6[%swap3A], %div3A {strides = array<i32>} : memref<2048xf32, #tpu.memory_space<vmem>>, vector<16xf32>,
      %div3A_232 = arith.divf %select_n3A_218, %add3A_223 : vector<16xf32>
      %add3A_233 = arith.constant 128 : i32
      %add3A_234 = arith.addi %add3A_230, %add3A_233 : i32
      %swap3A_235 = arith.index_cast %add3A_234 : i32 to index
      %swap3A_236 = tpu.vector_load %arg6[%swap3A_235] {strides = array<i32>} : memref<2048xf32, #tpu.memory_space<vmem>>, vector<16xf32>,
      tpu.vector_store %arg6[%swap3A_235], %div3A_232 {strides = array<i32>} : memref<2048xf32, #tpu.memory_space<vmem>>, vector<16xf32>,
      %swap3A_237 = arith.index_cast %add3A_230 : i32 to index
      %swap3A_238 = tpu.vector_load %arg7[%swap3A_237] {strides = array<i32>} : memref<2048xi32, #tpu.memory_space<vmem>>, vector<16xi32>,
      tpu.vector_store %arg7[%swap3A_237], %select_n3A_222 {strides = array<i32>} : memref<2048xi32, #tpu.memory_space<vmem>>, vector<16xi32>,
      %add3A_239 = arith.constant 128 : i32
      %add3A_240 = arith.addi %add3A_230, %add3A_239 : i32
      %swap3A_241 = arith.index_cast %add3A_240 : i32 to index
      %swap3A_242 = tpu.vector_load %arg7[%swap3A_241] {strides = array<i32>} : memref<2048xi32, #tpu.memory_space<vmem>>, vector<16xi32>,
      tpu.vector_store %arg7[%swap3A_241], %select_n3A_220 {strides = array<i32>} : memref<2048xi32, #tpu.memory_space<vmem>>, vector<16xi32>,
    }
    %scan3A_67 = arith.constant 32 : i32
    %mul3A_68 = arith.constant 2 : i32
    %mul3A_69 = arith.muli %mul3A_2, %mul3A_68 : i32
    %add3A_70 = arith.constant 1024 : i32
    %add3A_71 = arith.addi %mul3A_69, %add3A_70 : i32
    %mul3A_72 = arith.constant 2 : i32
    %mul3A_73 = arith.muli %mul3A_2, %mul3A_72 : i32
    %add3A_74 = arith.constant 1024 : i32
    %add3A_75 = arith.addi %mul3A_73, %add3A_74 : i32
    %dma_start3A_76 = arith.constant 1024 : i32
    %dma_start3A_77 = tpu.memref_slice %arg6[%dma_start3A_76] : memref<2048xf32, #tpu.memory_space<vmem>> -> memref<1024xf32, #tpu.memory_space<vmem>>
    %dma_start3A_78 = tpu.memref_slice %arg3[%add3A_71] : memref<65536xf32, #tpu.memory_space<hbm>> -> memref<1024xf32, #tpu.memory_space<hbm>>
    %dma_start3A_79 = tpu.memref_slice %arg3[%add3A_71] : memref<65536xf32, #tpu.memory_space<hbm>> -> memref<1024xf32, #tpu.memory_space<hbm>>
    %dma_start3A_80 = arith.constant 1024 : i32
    %dma_start3A_81 = tpu.memref_slice %arg6[%dma_start3A_80] : memref<2048xf32, #tpu.memory_space<vmem>> -> memref<1024xf32, #tpu.memory_space<vmem>>
    tpu.enqueue_dma source(%dma_start3A_81 : memref<1024xf32, #tpu.memory_space<vmem>>) target(%dma_start3A_79 : memref<1024xf32, #tpu.memory_space<hbm>>) target_semaphore(%arg10 : memref<!tpu.dma_semaphore, #tpu.memory_space<semaphore_mem>>)
    %dma_start3A_82 = arith.constant 1024 : i32
    %dma_start3A_83 = tpu.memref_slice %arg7[%dma_start3A_82] : memref<2048xi32, #tpu.memory_space<vmem>> -> memref<1024xi32, #tpu.memory_space<vmem>>
    %dma_start3A_84 = tpu.memref_slice %arg4[%add3A_75] : memref<65536xi32, #tpu.memory_space<hbm>> -> memref<1024xi32, #tpu.memory_space<hbm>>
    %dma_start3A_85 = tpu.memref_slice %arg4[%add3A_75] : memref<65536xi32, #tpu.memory_space<hbm>> -> memref<1024xi32, #tpu.memory_space<hbm>>
    %dma_start3A_86 = arith.constant 1024 : i32
    %dma_start3A_87 = tpu.memref_slice %arg7[%dma_start3A_86] : memref<2048xi32, #tpu.memory_space<vmem>> -> memref<1024xi32, #tpu.memory_space<vmem>>
    tpu.enqueue_dma source(%dma_start3A_87 : memref<1024xi32, #tpu.memory_space<vmem>>) target(%dma_start3A_85 : memref<1024xi32, #tpu.memory_space<hbm>>) target_semaphore(%arg10 : memref<!tpu.dma_semaphore, #tpu.memory_space<semaphore_mem>>)
    %dma_wait3A_88 = arith.constant 0 : i32
    %dma_wait3A_89 = tpu.memref_slice %arg6[%dma_wait3A_88] : memref<2048xf32, #tpu.memory_space<vmem>> -> memref<1024xf32, #tpu.memory_space<vmem>>
    %dma_wait3A_90 = tpu.memref_slice %arg3[%mul3A_38] : memref<65536xf32, #tpu.memory_space<hbm>> -> memref<1024xf32, #tpu.memory_space<hbm>>
    %dma_wait3A_91 = tpu.memref_slice %arg3[%mul3A_38] : memref<65536xf32, #tpu.memory_space<hbm>> -> memref<1024xf32, #tpu.memory_space<hbm>>
    %dma_wait3A_92 = arith.constant 0 : i32
    %dma_wait3A_93 = tpu.memref_slice %arg6[%dma_wait3A_92] : memref<2048xf32, #tpu.memory_space<vmem>> -> memref<1024xf32, #tpu.memory_space<vmem>>
    tpu.wait_dma2 semaphore(%arg10 : memref<!tpu.dma_semaphore, #tpu.memory_space<semaphore_mem>>) src(%dma_wait3A_93 : memref<1024xf32, #tpu.memory_space<vmem>>) dst(%dma_wait3A_91 : memref<1024xf32, #tpu.memory_space<hbm>>)
    %dma_wait3A_94 = arith.constant 0 : i32
    %dma_wait3A_95 = tpu.memref_slice %arg7[%dma_wait3A_94] : memref<2048xi32, #tpu.memory_space<vmem>> -> memref<1024xi32, #tpu.memory_space<vmem>>
    %dma_wait3A_96 = tpu.memref_slice %arg4[%mul3A_40] : memref<65536xi32, #tpu.memory_space<hbm>> -> memref<1024xi32, #tpu.memory_space<hbm>>
    %dma_wait3A_97 = tpu.memref_slice %arg4[%mul3A_40] : memref<65536xi32, #tpu.memory_space<hbm>> -> memref<1024xi32, #tpu.memory_space<hbm>>
    %dma_wait3A_98 = arith.constant 0 : i32
    %dma_wait3A_99 = tpu.memref_slice %arg7[%dma_wait3A_98] : memref<2048xi32, #tpu.memory_space<vmem>> -> memref<1024xi32, #tpu.memory_space<vmem>>
    tpu.wait_dma2 semaphore(%arg10 : memref<!tpu.dma_semaphore, #tpu.memory_space<semaphore_mem>>) src(%dma_wait3A_99 : memref<1024xi32, #tpu.memory_space<vmem>>) dst(%dma_wait3A_97 : memref<1024xi32, #tpu.memory_space<hbm>>)
    %dma_wait3A_100 = arith.constant 1024 : i32
    %dma_wait3A_101 = tpu.memref_slice %arg6[%dma_wait3A_100] : memref<2048xf32, #tpu.memory_space<vmem>> -> memref<1024xf32, #tpu.memory_space<vmem>>
    %dma_wait3A_102 = tpu.memref_slice %arg3[%add3A_71] : memref<65536xf32, #tpu.memory_space<hbm>> -> memref<1024xf32, #tpu.memory_space<hbm>>
    %dma_wait3A_103 = tpu.memref_slice %arg3[%add3A_71] : memref<65536xf32, #tpu.memory_space<hbm>> -> memref<1024xf32, #tpu.memory_space<hbm>>
    %dma_wait3A_104 = arith.constant 1024 : i32
    %dma_wait3A_105 = tpu.memref_slice %arg6[%dma_wait3A_104] : memref<2048xf32, #tpu.memory_space<vmem>> -> memref<1024xf32, #tpu.memory_space<vmem>>
    tpu.wait_dma2 semaphore(%arg10 : memref<!tpu.dma_semaphore, #tpu.memory_space<semaphore_mem>>) src(%dma_wait3A_105 : memref<1024xf32, #tpu.memory_space<vmem>>) dst(%dma_wait3A_103 : memref<1024xf32, #tpu.memory_space<hbm>>)
    %dma_wait3A_106 = arith.constant 1024 : i32
    %dma_wait3A_107 = tpu.memref_slice %arg7[%dma_wait3A_106] : memref<2048xi32, #tpu.memory_space<vmem>> -> memref<1024xi32, #tpu.memory_space<vmem>>
    %dma_wait3A_108 = tpu.memref_slice %arg4[%add3A_75] : memref<65536xi32, #tpu.memory_space<hbm>> -> memref<1024xi32, #tpu.memory_space<hbm>>
    %dma_wait3A_109 = tpu.memref_slice %arg4[%add3A_75] : memref<65536xi32, #tpu.memory_space<hbm>> -> memref<1024xi32, #tpu.memory_space<hbm>>
    %dma_wait3A_110 = arith.constant 1024 : i32
    %dma_wait3A_111 = tpu.memref_slice %arg7[%dma_wait3A_110] : memref<2048xi32, #tpu.memory_space<vmem>> -> memref<1024xi32, #tpu.memory_space<vmem>>
    tpu.wait_dma2 semaphore(%arg10 : memref<!tpu.dma_semaphore, #tpu.memory_space<semaphore_mem>>) src(%dma_wait3A_111 : memref<1024xi32, #tpu.memory_space<vmem>>) dst(%dma_wait3A_109 : memref<1024xi32, #tpu.memory_space<hbm>>)
    return
  }
}

module attributes {stable_mosaic.version = 14 : i64} {
  func.func @_probs_block(%arg0: i32, %arg1: memref<4096x768xf32, #tpu.memory_space<vmem>>, %arg2: memref<8x768xf32, #tpu.memory_space<vmem>>, %arg3: memref<1x8xf32, #tpu.memory_space<vmem>>, %arg4: memref<8x4096xf32, #tpu.memory_space<vmem>>) attributes {dimension_semantics = [#tpu.dimension_semantics<arbitrary>], iteration_bounds = array<i64: 8>, scalar_prefetch = 0 : i64, scratch_operands = 0 : i64, tpu.core_type = #tpu.core_type<tc>, window_params = [{transform_indices = @transform_0, window_bounds = array<i64: 4096, 768>}, {pipeline_mode = #tpu.pipeline_mode<synchronous>, transform_indices = @transform_1, window_bounds = array<i64: 8, 768>}, {pipeline_mode = #tpu.pipeline_mode<synchronous>, transform_indices = @transform_2, window_bounds = array<i64: 1, 8>}, {transform_indices = @transform_3, window_bounds = array<i64: 8, 4096>}]} {
    %get3A = arith.constant 0 : index
    %get3A_0 = arith.constant 0 : index
    %get3A_1 = vector.load %arg1[%get3A, %get3A_0] : memref<4096x768xf32, #tpu.memory_space<vmem>>, vector<4096x768xf32>
    %get3A_2 = arith.constant 0 : index
    %get3A_3 = arith.constant 0 : index
    %get3A_4 = vector.load %arg2[%get3A_2, %get3A_3] : memref<8x768xf32, #tpu.memory_space<vmem>>, vector<8x768xf32>
    %dot_general3A = arith.constant dense<0.000000e+00> : vector<4096x8xf32>
    %dot_general3A_5 = tpu.matmul %get3A_1, %get3A_4, %dot_general3A {dimension_numbers = #tpu.dot_dimension_numbers<[1], [1], [0], [0], [0, 0, 1, 0], [], []>, transpose_lhs_hint = false} : vector<4096x768xf32>, vector<8x768xf32>, vector<4096x8xf32> -> vector<4096x8xf32>
    %get3A_6 = arith.constant 0 : index
    %get3A_7 = arith.constant 0 : index
    %get3A_8 = vector.load %arg3[%get3A_6, %get3A_7] : memref<1x8xf32, #tpu.memory_space<vmem>>, vector<1x8xf32>
    %add3A = vector.broadcast %get3A_8 : vector<1x8xf32> to vector<4096x8xf32>
    %add3A_9 = arith.addf %dot_general3A_5, %add3A : vector<4096x8xf32>
    %logistic3A = arith.negf %add3A_9 : vector<4096x8xf32>
    %logistic3A_10 = math.exp %logistic3A : vector<4096x8xf32>
    %logistic3A_11 = arith.constant 1.000000e+00 : f32
    %logistic3A_12 = vector.broadcast %logistic3A_11 : f32 to vector<4096x8xf32>
    %logistic3A_13 = arith.addf %logistic3A_12, %logistic3A_10 : vector<4096x8xf32>
    %logistic3A_14 = arith.divf %logistic3A_12, %logistic3A_13 : vector<4096x8xf32>
    %transpose3A = tpu.transpose %logistic3A_14, [1, 0] : vector<4096x8xf32> -> vector<8x4096xf32>
    %swap3A = arith.constant 0 : index
    %swap3A_15 = arith.constant 0 : index
    %swap3A_16 = vector.load %arg4[%swap3A, %swap3A_15] : memref<8x4096xf32, #tpu.memory_space<vmem>>, vector<8x4096xf32>
    tpu.vector_store %arg4[%swap3A, %swap3A_15], %transpose3A {strides = array<i32>} : memref<8x4096xf32, #tpu.memory_space<vmem>>, vector<8x4096xf32>,
    return
  }
  func.func @transform_0(%arg0: i32) -> (i32, i32) {
    %c0_i32 = arith.constant 0 : i32
    %c0_i32_0 = arith.constant 0 : i32
    return %arg0, %c0_i32 : i32, i32
  }
  func.func @transform_1(%arg0: i32) -> (i32, i32) {
    %c0_i32 = arith.constant 0 : i32
    %c0_i32_0 = arith.constant 0 : i32
    %c0_i32_1 = arith.constant 0 : i32
    return %c0_i32, %c0_i32_0 : i32, i32
  }
  func.func @transform_2(%arg0: i32) -> (i32, i32) {
    %c0_i32 = arith.constant 0 : i32
    %c0_i32_0 = arith.constant 0 : i32
    %c0_i32_1 = arith.constant 0 : i32
    return %c0_i32, %c0_i32_0 : i32, i32
  }
  func.func @transform_3(%arg0: i32) -> (i32, i32) {
    %c0_i32 = arith.constant 0 : i32
    %c0_i32_0 = arith.constant 0 : i32
    return %c0_i32, %arg0 : i32, i32
  }
}

</mosaic_0001>

<sc_bundles>
// kernel: kernel.4.cloned.1.call-start
scs
__scs_entry_jumppad:
0x0: {  	(pc) =	sbr.rel $0x88, $3  }
0x1: {  	(tag) =	ssettag $0x0;
	lr =	simm.s32 $0x1  }
0x2: {  	[smem:$0x3F9E] =	sst lr;
	_ =	strace $0xD0000000  }
0x3: {  	_ = 	snop  }
0x4: {  	_ = 	snop  }
0x5: {  	_ = 	snop  }
0x6: {  	_ = 	snop  }
0x7: {  	_ = 	snop  }
__scs_overlays_trampoline_lowered:
0x8: {  	[smem:$0x3FAD] =	sst s0  }
0x9: {  	[smem:$0x3FAE] =	sst s1  }
0xa: {  	[smem:$0x3FAF] =	sst s2  }
0xb: {  	[smem:$0x3FB0] =	sst s3  }
0xc: {  	[smem:$0x3FB1] =	sst s4  }
0xd: {  	[smem:$0x3FB2] =	sst s5  }
0xe: {  	[smem:$0x3FB3] =	sst s6  }
0xf: {  	[smem:$0x3FB4] =	sst s7  }
0x10: {  	[smem:$0x3FB5] =	sst s8  }
0x11: {  	[smem:$0x3FB6] =	sst s9;
	s0 =	simm.s32 @!p0 $0x0  }
0x12: {  	s1 =	sld [smem:$0x3F9C];
	s0 =	simm.s32 @p0 $0x1  }
0x13: {  	[smem:$0x3FB7] =	sst s0;
	s0 =	simm.s32 @!p1 $0x0  }
0x14: {  	s2 =	sld [smem:$0x3F9B];
	s0 =	simm.s32 @p1 $0x1  }
0x15: {  	[smem:$0x3FB8] =	sst s0;
	s0 =	simm.s32 @!p2 $0x0  }
0x16: {  	s3 =	sld [smem:$0x3FDB];
	s0 =	simm.s32 @p2 $0x1  }
0x17: {  	s4 =	simm.s32 $0x1BF5;
	[smem:$0x3FBA] =	sst s0  }
0x18: {  	s0 =	sld [smem:$0x3F9D];
	_ =	swait.ge [sflag:s4], $0x0  }
0x19: {  	s7 =	sld [smem:$0x3F9E]  }
0x1a: {  	s8 =	sadd.s32 $0xFFFFE003, lr  }
0x1b: {  	s9 =	sadd.s32 $0xFFFFFEF7, lr;
	s5 =	simm.s32 $0xFFFFFFFF;
	p2 =	slt.u32 s8, $0xFFFFF086  }
0x1c: {  	p1 =	slt.u32 s9, $0xF7A;
	s5 =	simm.s32 @!p2 $0x0  }
0x1d: {  	s5 =	simm.s32 @p1 $0x1;
	p0 =	seq.s32 s7, s2  }
0x1e: {  	s7 =	smul.u32 @!p0 $0xF7A, s2;
	p2 =	seq.s32 @!p0 s5, $0x0  }
0x1f: {  	s9 =	smul.u32 $0xF7A, s1;
	s8 =	simm.s32 @!p0 $0x1BF5;
	p2 =	por !p2, p0  }
0x20: {  	[sflag:s8] =	ssyncset.s32 @!p0 $0xFFFFF086;
	s6 =	sadd.s32 @!p0 s3, s7;
	s7 =	simm.s32 @!p0 $0x108  }
0x21: {  	s3 =	sadd.s32 s3, s9;
	s6 =	sadd.s32 @!p0 $0x88, s6;
	s7 =	simm.s32 @p2 $0x1082  }
0x22: {  	[simem:s7], [sflag:s8] =	dma.local @!p0 [hbm:s6], $0xF7A  }
0x23: {  	s9 =	sor.u32 $0xD0000000, s2;
	s6 =	simm.s32 $0x108;
	_ =	swait.ge @!p0 [sflag:s8], $0x0  }
0x24: {  	s3 =	sadd.s32 $0x88, s3;
	s6 =	simm.s32 @!p1 $0x1082;
	[sflag:s4] =	ssyncset.s32 $0xFFFFF086  }
0x25: {  	[simem:s6], [sflag:s4] =	dma.local [hbm:s3], $0xF7A  }
0x26: {  	[smem:$0x3F9E] =	sst s1;
	(tag) =	ssettag s2;
	_ =	strace s9  }
0x27: {  	s1 =	sld [smem:$0x3FAE]  }
0x28: {  	s2 =	sld [smem:$0x3FAF]  }
0x29: {  	s4 =	sld [smem:$0x3FB1]  }
0x2a: {  	p0 =	seq.s32 s5, $0x0;
	s5 =	sld [smem:$0x3FB2]  }
0x2b: {  	s6 =	sld [smem:$0x3FB3]  }
0x2c: {  	s7 =	sld [smem:$0x3FB4]  }
0x2d: {  	s3 =	simm.s32 $0x108;
	s8 =	sld [smem:$0x3FB5]  }
0x2e: {  	s3 =	simm.s32 @!p0 $0x1082;
	s9 =	sld [smem:$0x3FB6]  }
0x2f: {  	lr =	sadd.s32 s0, s3;
	s0 =	sld [smem:$0x3FAD]  }
0x30: {  	s3 =	sld [smem:$0x3FB0]  }
0x31: {  	[smem:$0x3FB9] =	sst s10  }
0x32: {  	s10 =	sld [smem:$0x3FB7];
	_ =	sdelay $0x3  }
0x33: {  	p0 =	seq.s32 s10, $0x1;
	s10 =	sld [smem:$0x3FB9];
	_ =	sdelay $0x3  }
0x34: {  	[smem:$0x3FB9] =	sst s10  }
0x35: {  	s10 =	sld [smem:$0x3FB8];
	_ =	sdelay $0x3  }
0x36: {  	p1 =	seq.s32 s10, $0x1;
	s10 =	sld [smem:$0x3FB9];
	_ =	sdelay $0x3  }
0x37: {  	[smem:$0x3FB9] =	sst s10  }
0x38: {  	s10 =	sld [smem:$0x3FBA]  }
0x39: {  	_ = 	snop;
	(pc) =	sbr.ind lr, $3  }
0x3a: {  	_ = 	snop  }
0x3b: {  	_ = 	snop  }
0x3c: {  	p2 =	seq.s32 s10, $0x1;
	s10 =	sld [smem:$0x3FB9]  }
0x3d: {  	_ =	shalt  }
0x3e: {  	_ =	shalt  }
0x3f: {  	_ =	shalt  }
0x40: {  	_ =	shalt  }
0x41: {  	_ =	shalt  }
0x42: {  	_ =	shalt  }
0x43: {  	_ =	shalt  }
0x44: {  	_ =	shalt  }
0x45: {  	_ =	shalt  }
0x46: {  	_ =	shalt  }
0x47: {  	_ =	shalt  }
0x48: {  	_ =	shalt  }
0x49: {  	_ =	shalt  }
0x4a: {  	_ =	shalt  }
0x4b: {  	_ =	shalt  }
0x4c: {  	_ =	shalt  }
0x4d: {  	_ =	shalt  }
0x4e: {  	_ =	shalt  }
0x4f: {  	_ =	shalt  }
0x50: {  	_ =	shalt  }
0x51: {  	_ =	shalt  }
0x52: {  	_ =	shalt  }
0x53: {  	_ =	shalt  }
0x54: {  	_ =	shalt  }
0x55: {  	_ =	shalt  }
0x56: {  	_ =	shalt  }
0x57: {  	_ =	shalt  }
0x58: {  	_ =	shalt  }
0x59: {  	_ =	shalt  }
0x5a: {  	_ =	shalt  }
0x5b: {  	_ =	shalt  }
0x5c: {  	_ =	shalt  }
0x5d: {  	_ =	shalt  }
0x5e: {  	_ =	shalt  }
0x5f: {  	_ =	shalt  }
0x60: {  	_ =	shalt  }
0x61: {  	_ =	shalt  }
0x62: {  	_ =	shalt  }
0x63: {  	_ =	shalt  }
0x64: {  	_ =	shalt  }
0x65: {  	_ =	shalt  }
0x66: {  	_ =	shalt  }
0x67: {  	_ =	shalt  }
0x68: {  	_ =	shalt  }
0x69: {  	_ =	shalt  }
0x6a: {  	_ =	shalt  }
0x6b: {  	_ =	shalt  }
0x6c: {  	_ =	shalt  }
0x6d: {  	_ =	shalt  }
0x6e: {  	_ =	shalt  }
0x6f: {  	_ =	shalt  }
0x70: {  	_ =	shalt  }
0x71: {  	_ =	shalt  }
0x72: {  	_ =	shalt  }
0x73: {  	_ =	shalt  }
0x74: {  	_ =	shalt  }
0x75: {  	_ =	shalt  }
0x76: {  	_ =	shalt  }
0x77: {  	_ =	shalt  }
0x78: {  	_ =	shalt  }
0x79: {  	_ =	shalt  }
0x7a: {  	_ =	shalt  }
0x7b: {  	_ =	shalt  }
0x7c: {  	_ =	shalt  }
0x7d: {  	_ =	shalt  }
0x7e: {  	_ =	shalt  }
0x7f: {  	_ =	shalt  }
0x80: {  	_ =	shalt  }
0x81: {  	_ =	shalt  }
0x82: {  	_ =	shalt  }
0x83: {  	_ =	shalt  }
0x84: {  	_ =	shalt  }
0x85: {  	_ =	shalt  }
0x86: {  	_ =	shalt  }
0x87: {  	_ =	shalt  }
.Lfunc_end0:
.L_simem_size_0:
called_computation_lowered:
.L_overlay_start_0:
0x88: {  	s2 =	sld [smem:$0x3FD9]  }
0x89: {  	s3 =	sld [smem:$0x3FFE];
	_ =	sdelay $0x1  }
0x8a: {  	s1 =	srdreg.scid  }
0x8b: {  	s0 =	sand.u32 $0x1, s1  }
0x8c: {  	s15 =	sshll.u32 s0, $0xA;
	s2 =	sadd.s32 s3, s2  }
0x8d: {  	s2 =	sadd.s32 s2, s15  }
0x8e: {  	[smem:$0x3FC5] =	sst s2  }
0x8f: {  	_ = 	snop  }
0x90: {  	s2 =	sld [smem:$0x3FD0];
	_ =	sdelay $0x2  }
0x91: {  	s16 =	simm.s32 $0xA;
	s4 =	simm.s32 $0x10  }
0x92: {  	[smem:s4], [sflag:s16] =	dma.local [hbm:s2], $0x1  }
0x93: {  	_ =	swait.eq [sflag:s16], $0x1  }
0x94: {  	s17 =	sld [smem:$0x10];
	[sflag:s16] =	ssyncset.done $0x0  }
0x95: {  	s18 =	sld [smem:$0x11];
	[sflag:s16] =	ssyncadd.s32 $0xFFFFFFFF  }
0x96: {  	s19 =	sld [smem:$0x12];
	(tm) =	ssettm $0x1  }
0x97: {  	s5 =	sld [smem:$0x3FFB];
	_ =	sdelay $0x3  }
0x98: {  	_ =	strace s5  }
0x99: {  	s5 =	sld [smem:$0x3FFC];
	_ =	sdelay $0x3  }
0x9a: {  	_ =	strace s5  }
0x9b: {  	s5 =	sld [smem:$0x3FFD];
	_ =	sdelay $0x3  }
0x9c: {  	_ =	strace s5  }
0x9d: {  	_ =	strace $0x8FFFFFFF  }
0x9e: {  	s20 =	sld [smem:$0x3FDB];
	_ =	sdelay $0x1  }
0x9f: {  	s6 =	simm.s32 $_scs_section_size  }
0xa0: {  	s7 =	simm.s32 $_size__tile_overlayer_lowered;
	s8 =	simm.s32 $_tile_overlayer_lowered  }
0xa1: {  	s23 =	simm.s32 $0x1BFF;
	s22 =	sshll.u32 s8, $0x1;
	s5 =	sadd.s32 s6, s20  }
0xa2: {  	s9 =	simm.s32 $0x0;
	s21 =	sshll.u32 s7, $0x1;
	s7 =	sadd.s32 s22, s5  }
0xa3: {  	[timem:s9], [sflag:s23] =	dma.local [hbm:s7], s21  }
0xa4: {  	_ =	swait.ge [sflag:s23], s21  }
0xa5: {  	s6 =	ssub.s32 $0x0, s21;
	[sflag:s23] =	ssyncset.done $0x0  }
0xa6: {  	[sflag:s23] =	ssyncadd.s32 s6;
	_ =	sdelay $0x1  }
0xa7: {  	s24 =	simm.s32 $0x1B8B  }
0xa8: {  	_ =	swait.ge [sflag:s24], $0x1  }
0xa9: {  	[sflag:s24] =	ssyncset.done $0x0  }
0xaa: {  	s25 =	simm.s32 $0x1B8E;
	[sflag:s24] =	ssyncadd.s32 $0xFFFFFFFF  }
0xab: {  	s26 =	simm.s32 $execute0_lowered;
	[smem:$0x3FD2] =	sst s25  }
0xac: {  	s6 =	sshll.u32 s26, $0x1;
	_ =	strace $0x80000046;
	[dreg:$0x1] =	wrdreg $0xFFFFFFFF  }
0xad: {  	s28 =	simm.s32 $_size_execute0_lowered;
	s5 =	sadd.s32 s5, s6;
	[dreg:$0x0] =	wrdreg $0x0  }
0xae: {  	s6 =	sshll.u32 s28, $0x1;
	[dreg:$0x2] =	wrdreg s5  }
0xaf: {  	[dreg:$0x3] =	wrdreg s6  }
0xb0: {  	[dreg:$0x4] =	wrdreg $0xC0  }
0xb1: {  	_ =	task [dreg:s9], $0x5FFFF  }
0xb2: {  	[dreg:$0x1] =	wrdreg $0xFFFFFFFF  }
0xb3: {  	[dreg:$0x0] =	wrdreg $0x60  }
0xb4: {  	[dreg:$0x2] =	wrdreg s19  }
0xb5: {  	[dreg:$0x3] =	wrdreg s17  }
0xb6: {  	[dreg:$0x4] =	wrdreg s18  }
0xb7: {  	[dreg:$0x5] =	wrdreg $0x9  }
0xb8: {  	_ =	task.clear_ibuf [dreg:s9], $0x6FFFF;
	_ =	strace $0x90000046  }
0xb9: {  	s29 =	simm.s32 $0x9;
	_ =	strace $0x80000048  }
0xba: {  	_ =	swait.ge [sflag:s29], $0x1  }
0xbb: {  	[sflag:s29] =	ssyncadd.s32 $0xFFFFFFFF  }
0xbc: {  	_ =	strace $0x90000048  }
0xbd: {  	_ =	sfence  }
0xbe: {  	s30 =	sld [smem:$0x0];
	_ =	sdelay $0x2  }
0xbf: {  	s31 =	sshll.u32 s1, $0xD;
	s1 =	sshrl.u32 s1, $0x2  }
0xc0: {  	s3 =	sand.u32 $0x4000, s31;
	s1 =	sadd.s32 s1, s30  }
0xc1: {  	s0 =	sor.u32 s3, s0;
	s1 =	sshll.u32 s1, $0x11  }
0xc2: {  	s0 =	sor.u32 s1, s0  }
0xc3: {  	s0 =	sadd.s32 $0x8F2B, s0  }
0xc4: {  	[sflag:s0] =	ssyncadd.remote.s32 $0x1  }
0xc5: {  	_ =	sfence.sel $0xFFFF  }
0xc6: {  	[dreg:$0x0] =	wrdreg $0xFFFFFFFF;
	(pc) =	sbr.abs _section_cstart, $3  }
0xc7: {  	[dreg:$0x1] =	wrdreg $0xFFFFFFFF  }
0xc8: {  	_ =	task.clear_ibuf [dreg:s9], $0x2FFFF;
	_ =	strace $0x9FFFFFFF  }
0xc9: {  	(tm) =	ssettm $0x7FFFFFFF  }
tec
execute0_lowered:
.L_overlay_start_1:
0x0: {  	(tag) =	ssettag $0x1  }
0x1: {  	s3 =	rddreg [dreg:$0x0]  }
0x2: {  	s7 =	rddreg [dreg:$0x1]  }
0x3: {  	s1 =	srdreg.scid;
	s0 =	stileid.u32  }
0x4: {  	s8 =	rddreg [dreg:$0x2];
	s2 =	simm.s32 $0x0;
	s11 =	simm.s32 $0x1  }
0x5: {  	s12 =	simm.s32 $0x2000;
	s13 =	simm.s32 $0x2800;
	s14 =	simm.s32 $0x2  }
0x6: {  	s15 =	simm.s32 $0x2400;
	s16 =	simm.s32 $0x2C00;
	s17 =	simm.s32 $0x3  }
0x7: {  	s4 =	sand.u32 $0x1, s1;
	s5 =	sshll.u32 s0, $0x1;
	s1 =	rddreg [dreg:$0x3]  }
0x8: {  	s18 =	simm.s32 $0x0;
	[smem:$0x7FF] =	sst s2;
	s5 =	sor.u32 s4, s5  }
0x9: {  	s4 =	ssub.s32 $0x2, s4;
	_ =	strace $0x80000047;
	s6 =	sshll.u32 s5, $0xA  }
0xa: {  	s9 =	sshrl.u32 s4, $0x1;
	s10 =	sshll.u32 s5, $0x8;
	s3 =	sadd.s32 s3, s6  }
0xb: {  	s5 =	sadd.s32 s7, s10;
	s6 =	sadd.s32 s8, s10;
	s10 =	sor.u32 $0x80, s10  }
0xc: {  	s9 =	ssub.s32 s4, s9;
	s4 =	sadd.s32 $0x200, s3;
	s7 =	sadd.s32 s7, s10  }
0xd: {  	v0 =	vimm.s32 $0x0;
	s8 =	sadd.s32 s8, s10;
	s9 =	smax.u32 s9, $0x1;
	s10 =	simm.s32 $0x1000  }
.LBB2_1:
0xe: {  	[tilespmem:s2], [sflag:$0x1] =	stream.linear.gather [hbm4b:s3+s2], $0x1000, $0x38;
	[tilespmem:$0x3000] =	vst v63  }
0xf: {  	_ = 	snop  }
0x10: {  	[tilespmem:s10], [sflag:$0x2] =	stream.linear.gather [hbm4b:s4+s2], $0x1000, $0x38;
	[tilespmem:$0x3000] =	vst v63  }
0x11: {  	_ =	swait.ge [sflag:s11], $0x1000  }
0x12: {  	s19 =	sand.u32 $0x70, s2;
	s20 =	sand.u32 $0xC00, s2;
	[sflag:s11] =	ssyncset.done $0x0  }
0x13: {  	s20 =	sor.u32 s19, s20;
	[sflag:s11] =	ssyncadd.s32 $0xFFFFF000  }
0x14: {  	v1 =	vld [tilespmem:s20+$0x0]  }
0x15: {  	v2 =	vld [tilespmem:s20+$0x80];
	_ =	sdelay $0x2  }
0x16: {  	v3 =	vld [tilespmem:s20+$0x100];
	_ =	sdelay $0x1  }
0x17: {  	vm6 =	vgt.f32 v2, v1;
	vm2 =	vgt.f32 v2, $-1.000000000e+00  }
0x18: {  	v5 =	vld [tilespmem:s20+$0x180];
	vm7 =	vmneg vm6;
	v4 =	vnsel vm2, $0xBF800000, v2  }
0x19: {  	v4 =	vsel vm7, v4, v1  }
0x1a: {  	v1 =	vsel vm7, v1, v2;
	vm3 =	vgt.f32 v3, v4  }
0x1b: {  	v59 =	vld [tilespmem:s20+$0x200];
	vm0 =	vgt.f32 v3, v1;
	v2 =	vsel vm3, v3, v4  }
0x1c: {  	v2 =	vsel vm0, v1, v2  }
0x1d: {  	v1 =	vsel vm0, v3, v1;
	vm4 =	vgt.f32 v5, v2  }
0x1e: {  	v3 =	vld [tilespmem:s20+$0x280];
	vm1 =	vgt.f32 v5, v1;
	v2 =	vsel vm4, v5, v2  }
0x1f: {  	v2 =	vsel vm1, v1, v2  }
0x20: {  	v1 =	vsel vm1, v5, v1;
	vm8 =	vgt.f32 v59, v2  }
0x21: {  	v60 =	vld [tilespmem:s20+$0x300];
	vm5 =	vgt.f32 v59, v1;
	v2 =	vsel vm8, v59, v2  }
0x22: {  	s30 =	sor.u32 s2, s2;
	v2 =	vsel vm5, v1, v2  }
0x23: {  	s20 =	sor.u32 $0x380, s30;
	v1 =	vsel vm5, v59, v1;
	vm9 =	vgt.f32 v3, v2  }
0x24: {  	v61 =	vld [tilespmem:s20+$0x0];
	vm10 =	vgt.f32 v3, v1;
	v2 =	vsel vm9, v3, v2  }
0x25: {  	v2 =	vsel vm10, v1, v2  }
0x26: {  	v1 =	vsel vm10, v3, v1;
	vm11 =	vgt.f32 v60, v2  }
0x27: {  	vm12 =	vgt.f32 v60, v1;
	v2 =	vsel vm11, v60, v2  }
0x28: {  	vm2 =	vmand vm7, vm2;
	v2 =	vsel vm12, v1, v2  }
0x29: {  	v62 =	vsel vm2, $0x1, v0;
	v1 =	vsel vm12, v60, v1;
	vm14 =	vgt.f32 v61, v2  }
0x2a: {  	v5 =	vsel vm3, $0x2, v62;
	vm15 =	vgt.f32 v61, v1;
	v2 =	vsel vm14, v61, v2  }
0x2b: {  	v3 =	vsel vm6, $0x1, v0;
	v4 =	vsel vm15, v61, v1;
	v1 =	vsel vm15, v1, v2  }
0x2c: {  	v2 =	vsel vm0, v3, v5;
	v63 =	vadd.f32 v1, v4  }
0x2d: {  	v3 =	vsel vm0, $0x2, v3;
	v2 =	vsel vm4, $0x3, v2  }
0x2e: {  	v2 =	vsel vm1, v3, v2;
	(erf) = vrcp.f32 v63  }
0x2f: {  	v3 =	vsel vm1, $0x3, v3;
	v2 =	vsel vm8, $0x4, v2  }
0x30: {  	v2 =	vsel vm5, v3, v2  }
0x31: {  	v3 =	vsel vm5, $0x4, v3;
	v2 =	vsel vm9, $0x5, v2  }
0x32: {  	v2 =	vsel vm10, v3, v2  }
0x33: {  	v3 =	vsel vm10, $0x5, v3;
	v2 =	vsel vm11, $0x6, v2  }
0x34: {  	v2 =	vsel vm12, v3, v2  }
0x35: {  	s31 =	sand.u32 $0x300, s2;
	v3 =	vsel vm12, $0x6, v3;
	v2 =	vsel vm14, $0x7, v2  }
0x36: {  	s24 =	sor.u32 s19, s31;
	v2 =	vsel vm15, v3, v2  }
0x37: {  	v3 =	vsel vm15, $0x7, v3;
	[tilespmem:s24+$0x2880] =	vst v2;
	v5 =	vpop (erf)  }
0x38: {  	s21 =	simm.s32 $0x0;
	s19 =	simm.s32 $0x10;
	s20 =	simm.s32 $0x0;
	[tilespmem:s24+$0x2800] =	vst v3;
	v2 =	vmul.f32 v5, v4;
	v1 =	vmul.f32 v5, v1  }
.LBB2_2:
0x39: {  	p0 =	sne.s32 s19, $0x1F0  }
0x3a: {  	s20 =	sadd.s32 $0x20, s20;
	s21 =	sadd.s32 $0x80, s21;
	s23 =	smov.u32 s19  }
0x3b: {  	s19 =	sadd.s32 $0x10, s19;
	s22 =	sand.u32 $0x70, s23;
	s25 =	sand.u32 $0xC00, s21;
	[tilespmem:s24+$0x2000] =	vst v2  }
0x3c: {  	s25 =	sor.u32 s22, s25;
	[tilespmem:s24+$0x2080] =	vst v1  }
0x3d: {  	v1 =	vld [tilespmem:s25+$0x0]  }
0x3e: {  	v2 =	vld [tilespmem:s25+$0x80];
	_ =	sdelay $0x2  }
0x3f: {  	v3 =	vld [tilespmem:s25+$0x100];
	_ =	sdelay $0x1  }
0x40: {  	vm0 =	vgt.f32 v2, v1;
	vm1 =	vgt.f32 v2, $-1.000000000e+00  }
0x41: {  	vm2 =	vmneg vm0;
	v4 =	vnsel vm1, $0xBF800000, v2;
	v5 =	vsel vm0, $0x1, v0;
	v6 =	vld [tilespmem:s25+$0x180]  }
0x42: {  	v4 =	vsel vm2, v4, v1;
	vm0 =	vmand vm2, vm1;
	v1 =	vsel vm2, v1, v2  }
0x43: {  	v2 =	vsel vm0, $0x1, v0;
	vm0 =	vgt.f32 v3, v1;
	vm1 =	vgt.f32 v3, v4  }
0x44: {  	v4 =	vsel vm1, v3, v4;
	v2 =	vsel vm1, $0x2, v2;
	v3 =	vsel vm0, v3, v1;
	v7 =	vld [tilespmem:s25+$0x200]  }
0x45: {  	v1 =	vsel vm0, v1, v4;
	v2 =	vsel vm0, v5, v2  }
0x46: {  	v4 =	vsel vm0, $0x2, v5;
	vm0 =	vgt.f32 v6, v3;
	vm1 =	vgt.f32 v6, v1  }
0x47: {  	v1 =	vsel vm1, v6, v1;
	v2 =	vsel vm1, $0x3, v2;
	v5 =	vsel vm0, v6, v3;
	v6 =	vld [tilespmem:s25+$0x280]  }
0x48: {  	v1 =	vsel vm0, v3, v1;
	v2 =	vsel vm0, v4, v2  }
0x49: {  	v3 =	vsel vm0, $0x3, v4;
	vm0 =	vgt.f32 v7, v5;
	vm1 =	vgt.f32 v7, v1  }
0x4a: {  	v1 =	vsel vm1, v7, v1;
	v2 =	vsel vm1, $0x4, v2;
	v4 =	vsel vm0, v7, v5;
	v7 =	vld [tilespmem:s25+$0x300]  }
0x4b: {  	s23 =	sor.u32 s21, s23;
	v1 =	vsel vm0, v5, v1;
	v2 =	vsel vm0, v3, v2  }
0x4c: {  	s23 =	sor.u32 $0x380, s23;
	vm1 =	vgt.f32 v6, v4;
	vm2 =	vgt.f32 v6, v1  }
0x4d: {  	v1 =	vsel vm2, v6, v1;
	v2 =	vsel vm2, $0x5, v2;
	v5 =	vld [tilespmem:s23+$0x0]  }
0x4e: {  	v3 =	vsel vm0, $0x4, v3;
	v1 =	vsel vm1, v4, v1;
	v4 =	vsel vm1, v6, v4  }
0x4f: {  	v2 =	vsel vm1, v3, v2;
	vm0 =	vgt.f32 v7, v4;
	vm2 =	vgt.f32 v7, v1  }
0x50: {  	v3 =	vsel vm1, $0x5, v3;
	v1 =	vsel vm2, v7, v1;
	v2 =	vsel vm2, $0x6, v2  }
0x51: {  	v1 =	vsel vm0, v4, v1;
	v2 =	vsel vm0, v3, v2;
	v4 =	vsel vm0, v7, v4  }
0x52: {  	v3 =	vsel vm0, $0x6, v3;
	vm0 =	vgt.f32 v5, v4;
	vm1 =	vgt.f32 v5, v1  }
0x53: {  	s23 =	sand.u32 $0x300, s20;
	v1 =	vsel vm1, v5, v1;
	v2 =	vsel vm1, $0x7, v2;
	v5 =	vsel vm0, v5, v4  }
0x54: {  	s24 =	sor.u32 s22, s23;
	v1 =	vsel vm0, v4, v1;
	v2 =	vsel vm0, v3, v2;
	v3 =	vsel vm0, $0x7, v3  }
0x55: {  	v4 =	vadd.f32 v1, v5;
	[tilespmem:s24+$0x2880] =	vst v2  }
0x56: {  	[tilespmem:s24+$0x2800] =	vst v3  }
0x57: {  	(erf) = vrcp.f32 v4;
	_ =	sdelay $0x5  }
.Ltmp0:
0x58: {  	(pc) =	sbr.rel @p0 .LBB2_2-.Ltmp0, $3  }
0x59: {  	_ =	sdelay $0x1  }
0x5a: {  	v3 =	vpop (erf)  }
0x5b: {  	v2 =	vmul.f32 v3, v5;
	v1 =	vmul.f32 v3, v1  }
0x5c: {  	_ = 	snop  }
0x5d: {  	[tilespmem:s24+$0x2000] =	vst v2  }
0x5e: {  	s19 =	simm.s32 $0x0;
	[tilespmem:s24+$0x2080] =	vst v1  }
0x5f: {  	[hbm4b:s5+s19] =	stream.linear.scatter [tilespmem:s12], [sflag:$0x3], $0x400, $0x38;
	[tilespmem:$0x3000] =	vst v63  }
0x60: {  	_ = 	snop  }
0x61: {  	[hbm4b:s6+s19] =	stream.linear.scatter [tilespmem:s13], [sflag:$0x3], $0x400, $0x38;
	[tilespmem:$0x3000] =	vst v63  }
0x62: {  	s20 =	simm.s32 $0x1000;
	_ =	swait.ge [sflag:s14], $0x1000  }
0x63: {  	s21 =	sand.u32 $0x70, s19;
	s22 =	sand.u32 $0x1C00, s20;
	[sflag:s14] =	ssyncset.done $0x0  }
0x64: {  	s22 =	sor.u32 s21, s22;
	[sflag:s14] =	ssyncadd.s32 $0xFFFFF000  }
0x65: {  	v1 =	vld [tilespmem:s22+$0x0]  }
0x66: {  	v2 =	vld [tilespmem:s22+$0x80];
	_ =	sdelay $0x2  }
0x67: {  	v3 =	vld [tilespmem:s22+$0x100];
	_ =	sdelay $0x1  }
0x68: {  	vm6 =	vgt.f32 v2, v1;
	vm2 =	vgt.f32 v2, $-1.000000000e+00  }
0x69: {  	v5 =	vld [tilespmem:s22+$0x180];
	vm7 =	vmneg vm6;
	v4 =	vnsel vm2, $0xBF800000, v2  }
0x6a: {  	v4 =	vsel vm7, v4, v1  }
0x6b: {  	v1 =	vsel vm7, v1, v2;
	vm3 =	vgt.f32 v3, v4  }
0x6c: {  	v59 =	vld [tilespmem:s22+$0x200];
	vm0 =	vgt.f32 v3, v1;
	v2 =	vsel vm3, v3, v4  }
0x6d: {  	v2 =	vsel vm0, v1, v2  }
0x6e: {  	v1 =	vsel vm0, v3, v1;
	vm4 =	vgt.f32 v5, v2  }
0x6f: {  	v3 =	vld [tilespmem:s22+$0x280];
	vm1 =	vgt.f32 v5, v1;
	v2 =	vsel vm4, v5, v2  }
0x70: {  	v2 =	vsel vm1, v1, v2  }
0x71: {  	v1 =	vsel vm1, v5, v1;
	vm8 =	vgt.f32 v59, v2  }
0x72: {  	v60 =	vld [tilespmem:s22+$0x300];
	vm5 =	vgt.f32 v59, v1;
	v2 =	vsel vm8, v59, v2  }
0x73: {  	s30 =	sor.u32 s20, s19;
	v2 =	vsel vm5, v1, v2  }
0x74: {  	s22 =	sor.u32 $0x380, s30;
	v1 =	vsel vm5, v59, v1;
	vm9 =	vgt.f32 v3, v2  }
0x75: {  	v61 =	vld [tilespmem:s22+$0x0];
	vm10 =	vgt.f32 v3, v1;
	v2 =	vsel vm9, v3, v2  }
0x76: {  	v2 =	vsel vm10, v1, v2  }
0x77: {  	v1 =	vsel vm10, v3, v1;
	vm11 =	vgt.f32 v60, v2  }
0x78: {  	vm12 =	vgt.f32 v60, v1;
	v2 =	vsel vm11, v60, v2  }
0x79: {  	vm2 =	vmand vm7, vm2;
	v2 =	vsel vm12, v1, v2  }
0x7a: {  	v62 =	vsel vm2, $0x1, v0;
	v1 =	vsel vm12, v60, v1;
	vm14 =	vgt.f32 v61, v2  }
0x7b: {  	v5 =	vsel vm3, $0x2, v62;
	vm15 =	vgt.f32 v61, v1;
	v2 =	vsel vm14, v61, v2  }
0x7c: {  	v3 =	vsel vm6, $0x1, v0;
	v4 =	vsel vm15, v61, v1;
	v1 =	vsel vm15, v1, v2  }
0x7d: {  	v2 =	vsel vm0, v3, v5;
	v63 =	vadd.f32 v1, v4  }
0x7e: {  	v3 =	vsel vm0, $0x2, v3;
	v2 =	vsel vm4, $0x3, v2  }
0x7f: {  	v2 =	vsel vm1, v3, v2;
	(erf) = vrcp.f32 v63  }
0x80: {  	v3 =	vsel vm1, $0x3, v3;
	v2 =	vsel vm8, $0x4, v2  }
0x81: {  	v2 =	vsel vm5, v3, v2  }
0x82: {  	v3 =	vsel vm5, $0x4, v3;
	v2 =	vsel vm9, $0x5, v2  }
0x83: {  	v2 =	vsel vm10, v3, v2  }
0x84: {  	v3 =	vsel vm10, $0x5, v3;
	v2 =	vsel vm11, $0x6, v2  }
0x85: {  	s31 =	simm.s32 $0x400;
	v2 =	vsel vm12, v3, v2  }
0x86: {  	s22 =	sand.u32 $0x700, s31;
	v3 =	vsel vm12, $0x6, v3;
	v2 =	vsel vm14, $0x7, v2  }
0x87: {  	s24 =	sor.u32 s21, s22;
	v2 =	vsel vm15, v3, v2  }
0x88: {  	v3 =	vsel vm15, $0x7, v3;
	[tilespmem:s24+$0x2880] =	vst v2;
	v5 =	vpop (erf)  }
0x89: {  	s21 =	simm.s32 $0x420;
	[tilespmem:s24+$0x2800] =	vst v3;
	v2 =	vmul.f32 v5, v4;
	v1 =	vmul.f32 v5, v1  }
.LBB2_4:
0x8a: {  	p0 =	sne.s32 s21, $0x7E0  }
0x8b: {  	s19 =	sadd.s32 $0x10, s19;
	s20 =	sadd.s32 $0x80, s20;
	s23 =	smov.u32 s21  }
0x8c: {  	s21 =	sadd.s32 $0x20, s21;
	s22 =	sand.u32 $0x70, s19;
	s25 =	sand.u32 $0x1C00, s20;
	[tilespmem:s24+$0x2000] =	vst v2  }
0x8d: {  	s25 =	sor.u32 s22, s25;
	[tilespmem:s24+$0x2080] =	vst v1  }
0x8e: {  	v1 =	vld [tilespmem:s25+$0x0]  }
0x8f: {  	v2 =	vld [tilespmem:s25+$0x80];
	_ =	sdelay $0x2  }
0x90: {  	v3 =	vld [tilespmem:s25+$0x100];
	_ =	sdelay $0x1  }
0x91: {  	vm0 =	vgt.f32 v2, v1;
	vm1 =	vgt.f32 v2, $-1.000000000e+00  }
0x92: {  	vm2 =	vmneg vm0;
	v4 =	vnsel vm1, $0xBF800000, v2;
	v5 =	vsel vm0, $0x1, v0;
	v6 =	vld [tilespmem:s25+$0x180]  }
0x93: {  	v4 =	vsel vm2, v4, v1;
	vm0 =	vmand vm2, vm1;
	v1 =	vsel vm2, v1, v2  }
0x94: {  	v2 =	vsel vm0, $0x1, v0;
	vm0 =	vgt.f32 v3, v1;
	vm1 =	vgt.f32 v3, v4  }
0x95: {  	v4 =	vsel vm1, v3, v4;
	v2 =	vsel vm1, $0x2, v2;
	v3 =	vsel vm0, v3, v1;
	v7 =	vld [tilespmem:s25+$0x200]  }
0x96: {  	v1 =	vsel vm0, v1, v4;
	v2 =	vsel vm0, v5, v2  }
0x97: {  	v4 =	vsel vm0, $0x2, v5;
	vm0 =	vgt.f32 v6, v3;
	vm1 =	vgt.f32 v6, v1  }
0x98: {  	v1 =	vsel vm1, v6, v1;
	v2 =	vsel vm1, $0x3, v2;
	v5 =	vsel vm0, v6, v3;
	v6 =	vld [tilespmem:s25+$0x280]  }
0x99: {  	v1 =	vsel vm0, v3, v1;
	v2 =	vsel vm0, v4, v2  }
0x9a: {  	v3 =	vsel vm0, $0x3, v4;
	vm0 =	vgt.f32 v7, v5;
	vm1 =	vgt.f32 v7, v1  }
0x9b: {  	v1 =	vsel vm1, v7, v1;
	v2 =	vsel vm1, $0x4, v2;
	v4 =	vsel vm0, v7, v5;
	v7 =	vld [tilespmem:s25+$0x300]  }
0x9c: {  	s24 =	sor.u32 s20, s19;
	v1 =	vsel vm0, v5, v1;
	v2 =	vsel vm0, v3, v2  }
0x9d: {  	s24 =	sor.u32 $0x380, s24;
	vm1 =	vgt.f32 v6, v4;
	vm2 =	vgt.f32 v6, v1  }
0x9e: {  	v1 =	vsel vm2, v6, v1;
	v2 =	vsel vm2, $0x5, v2;
	v5 =	vld [tilespmem:s24+$0x0]  }
0x9f: {  	v3 =	vsel vm0, $0x4, v3;
	v1 =	vsel vm1, v4, v1;
	v4 =	vsel vm1, v6, v4  }
0xa0: {  	v2 =	vsel vm1, v3, v2;
	vm0 =	vgt.f32 v7, v4;
	vm2 =	vgt.f32 v7, v1  }
0xa1: {  	v3 =	vsel vm1, $0x5, v3;
	v1 =	vsel vm2, v7, v1;
	v2 =	vsel vm2, $0x6, v2  }
0xa2: {  	v1 =	vsel vm0, v4, v1;
	v2 =	vsel vm0, v3, v2;
	v4 =	vsel vm0, v7, v4  }
0xa3: {  	v3 =	vsel vm0, $0x6, v3;
	vm0 =	vgt.f32 v5, v4;
	vm1 =	vgt.f32 v5, v1  }
0xa4: {  	s23 =	sand.u32 $0x700, s23;
	v1 =	vsel vm1, v5, v1;
	v2 =	vsel vm1, $0x7, v2;
	v5 =	vsel vm0, v5, v4  }
0xa5: {  	s24 =	sor.u32 s22, s23;
	v1 =	vsel vm0, v4, v1;
	v2 =	vsel vm0, v3, v2;
	v3 =	vsel vm0, $0x7, v3  }
0xa6: {  	v4 =	vadd.f32 v1, v5;
	[tilespmem:s24+$0x2880] =	vst v2  }
0xa7: {  	[tilespmem:s24+$0x2800] =	vst v3  }
0xa8: {  	(erf) = vrcp.f32 v4;
	_ =	sdelay $0x5  }
.Ltmp1:
0xa9: {  	(pc) =	sbr.rel @p0 .LBB2_4-.Ltmp1, $3  }
0xaa: {  	_ =	sdelay $0x1  }
0xab: {  	v3 =	vpop (erf)  }
0xac: {  	v2 =	vmul.f32 v3, v5;
	v1 =	vmul.f32 v3, v1  }
0xad: {  	_ = 	snop  }
0xae: {  	[tilespmem:s24+$0x2000] =	vst v2  }
0xaf: {  	[tilespmem:s24+$0x2080] =	vst v1  }
0xb0: {  	[hbm4b:s7+s2] =	stream.linear.scatter [tilespmem:s15], [sflag:$0x3], $0x400, $0x38;
	[tilespmem:$0x3000] =	vst v63  }
0xb1: {  	_ = 	snop  }
0xb2: {  	[hbm4b:s8+s2] =	stream.linear.scatter [tilespmem:s16], [sflag:$0x3], $0x400, $0x38;
	[tilespmem:$0x3000] =	vst v63  }
0xb3: {  	_ =	swait.ge [sflag:s17], $0x400  }
0xb4: {  	[sflag:s17] =	ssyncset.done $0x0  }
0xb5: {  	[sflag:s17] =	ssyncadd.s32 $0xFFFFFC00  }
0xb6: {  	_ =	swait.ge [sflag:s17], $0x400  }
0xb7: {  	[sflag:s17] =	ssyncset.done $0x0  }
0xb8: {  	s18 =	sadd.s32 $0x1, s18;
	[sflag:s17] =	ssyncadd.s32 $0xFFFFFC00  }
0xb9: {  	p0 =	sne.s32 s18, s9;
	_ =	swait.ge [sflag:s17], $0x400  }
.Ltmp2:
0xba: {  	[sflag:s17] =	ssyncset.done $0x0;
	(pc) =	sbr.rel @p0 .LBB2_1-.Ltmp2, $4  }
0xbb: {  	[sflag:s17] =	ssyncadd.s32 $0xFFFFFC00  }
0xbc: {  	_ =	swait.ge [sflag:s17], $0x400  }
0xbd: {  	[sflag:s17] =	ssyncset.done $0x0  }
0xbe: {  	[sflag:s17] =	ssyncadd.s32 $0xFFFFFC00  }
0xbf: {  	_ =	sfence.sel $0x180000  }
0xc0: {  	[bflag:$0x0] =	sbarrier.arrive $0xFFFF  }
0xc1: {  	p0 =	sne.s32 s0, $0x0;
	_ =	strace $0x90000047  }
0xc2: {  	s0 =	sadd.s32 @!p0 $0x100000, s1;
	[bflag:$0x2] =	sbarrier.arrive $0xFFFF  }
0xc3: {  	[sflag:s0] =	ssyncadd.tile.s32 @!p0 $0x1;
	_ =	shalt  }
.Lfunc_end2:
_tile_overlayer_lowered:
.L_overlay_start_2:
0xc4: {  	(tag) =	ssettag $0x2  }
0xc5: {  	s0 =	rddreg [dreg:$0x0];
	s2 =	stileid.u32  }
0xc6: {  	s1 =	rddreg [dreg:$0x1];
	p0 =	sne.s32 s2, $0x0  }
0xc7: {  	s3 =	rddreg [dreg:$0x2];
	[bflag:$0x3] =	sbarrier.arrive $0xFFFF;
	s2 =	simm.s32 @!p0 $0x1C04  }
0xc8: {  	[timem:s3], [sflag:s2] =	dma.local @!p0 [hbm:s0], s1  }
0xc9: {  	s0 =	simm.s32 @!p0 $0x4  }
0xca: {  	_ =	swait.ge @!p0 [sflag:s0], s1  }
0xcb: {  	s1 =	ssub.s32 @!p0 $0x0, s1;
	[sflag:s0] =	ssyncset.done @!p0 $0x0  }
0xcc: {  	[sflag:s0] =	ssyncadd.s32 @!p0 s1  }
0xcd: {  	[bflag:$0x3] =	sbarrier.arrive $0xFFFF  }
0xce: {  	_ =	shalt  }

</sc_bundles>
